<compile_context>
chip_gen: v7x
topology: tpu7x:2x2x1
jax: 0.10.2.dev20260603
libtpu: 0.0.44.dev20260713+nightly
codegen_flags: <defaults>
</compile_context>

<pallas_src>
import functools

import jax
import jax.numpy as jnp
from jax import lax
from jax.experimental import pallas as pl
from jax.experimental.pallas import tpu as pltpu
from jax.experimental.pallas import tpu_sc as plsc

N = 10000
E = 320000
D = 128
EPS = 1e-5

NUM_CORES = 2
NUM_SUBCORES = 16
NW = NUM_CORES * NUM_SUBCORES
CHUNK = 80
CHUNKS_PER_W = 125
HALF_SIZES = (64, 61)
ROWS_PER_TILE = 632
NPAD = ROWS_PER_TILE * NUM_SUBCORES


def _sc_scatter_kernel(h_hbm, src_hbm, dst_hbm, zero_hbm, out_hbm,
                       idx_s, idx_d, rows_a, rows_b, rows_c, acc,
                       sem_ga, sem_gb, sem_gc, sem_sa, sem_sb, sem_sc,
                       sem_z):
    c = lax.axis_index("c")
    s = lax.axis_index("s")
    wid = s * NUM_CORES + c

    zsl = pl.ds(s * ROWS_PER_TILE, ROWS_PER_TILE)
    pltpu.async_copy(zero_hbm, acc.at[zsl], sem_z)

    hstart = 0
    for hsize in HALF_SIZES:
        ntrip = hsize // 3
        ec = 3 * ntrip

        def body(j, carry, ntrip=ntrip):
            c0 = 3 * j
            c1 = c0 + 1
            c2 = c0 + 2
            pltpu.make_async_copy(h_hbm.at[idx_s.at[c0]], rows_a, sem_ga).wait()
            pltpu.async_copy(h_hbm.at[idx_s.at[c2]], rows_c, sem_gc)
            pltpu.async_copy(rows_a, acc.at[idx_d.at[c0]], sem_sa, add=True)
            pltpu.make_async_copy(h_hbm.at[idx_s.at[c1]], rows_b, sem_gb).wait()
            pltpu.make_async_copy(rows_a, acc.at[idx_d.at[c0]], sem_sa).wait()

            pltpu.async_copy(h_hbm.at[idx_s.at[c0 + 3]], rows_a, sem_ga)

            pltpu.async_copy(rows_b, acc.at[idx_d.at[c1]], sem_sb, add=True)
            pltpu.make_async_copy(h_hbm.at[idx_s.at[c2]], rows_c, sem_gc).wait()
            pltpu.make_async_copy(rows_b, acc.at[idx_d.at[c1]], sem_sb).wait()

            @pl.when(j < ntrip - 1)
            def _():
                pltpu.async_copy(h_hbm.at[idx_s.at[c0 + 4]], rows_b, sem_gb)

            pltpu.async_copy(rows_c, acc.at[idx_d.at[c2]], sem_sc, add=True)
            pltpu.make_async_copy(rows_c, acc.at[idx_d.at[c2]], sem_sc).wait()
            return carry

        sl = pl.ds(0, hsize)
        pltpu.sync_copy(src_hbm.at[wid, pl.ds(hstart, hsize)], idx_s.at[sl])
        pltpu.sync_copy(dst_hbm.at[wid, pl.ds(hstart, hsize)], idx_d.at[sl])
        pltpu.async_copy(h_hbm.at[idx_s.at[0]], rows_a, sem_ga)
        pltpu.async_copy(h_hbm.at[idx_s.at[1]], rows_b, sem_gb)
        if hstart == 0:
            pltpu.make_async_copy(zero_hbm, acc.at[zsl], sem_z).wait()
            plsc.subcore_barrier()
        lax.fori_loop(0, ntrip, body, 0)
        pltpu.make_async_copy(h_hbm.at[idx_s.at[ec]], rows_a, sem_ga).wait()
        pltpu.async_copy(rows_a, acc.at[idx_d.at[ec]], sem_sa, add=True)
        pltpu.make_async_copy(rows_a, acc.at[idx_d.at[ec]], sem_sa).wait()
        hstart += hsize

    plsc.subcore_barrier()

    sl = pl.ds(s * ROWS_PER_TILE, ROWS_PER_TILE)
    pltpu.sync_copy(acc.at[sl], out_hbm.at[c, sl])


def _sc_scatter(h, src, dst, zero):
    mesh = plsc.VectorSubcoreMesh(core_axis_name="c", subcore_axis_name="s")
    kfn = pl.kernel(
        _sc_scatter_kernel,
        mesh=mesh,
        out_type=jax.ShapeDtypeStruct((NUM_CORES, NPAD, D), jnp.float32),
        scratch_types=[
            pltpu.VMEM((HALF_SIZES[0], CHUNK), jnp.int32),
            pltpu.VMEM((HALF_SIZES[0], CHUNK), jnp.int32),
            pltpu.VMEM((CHUNK, D), jnp.float32),
            pltpu.VMEM((CHUNK, D), jnp.float32),
            pltpu.VMEM((CHUNK, D), jnp.float32),
            pltpu.VMEM_SHARED((NPAD, D), jnp.float32),
            pltpu.SemaphoreType.DMA,
            pltpu.SemaphoreType.DMA,
            pltpu.SemaphoreType.DMA,
            pltpu.SemaphoreType.DMA,
            pltpu.SemaphoreType.DMA,
            pltpu.SemaphoreType.DMA,
            pltpu.SemaphoreType.DMA,
        ],
    )
    return kfn(h, src, dst, zero)


def _tc_finish_kernel(acc_ref, h_ref, w_ref, b_ref, g_ref, be_ref, o_ref):
    s = acc_ref[0] + acc_ref[1] + h_ref[...]
    x = lax.dot_general(s, w_ref[...], (((1,), (1,)), ((), ())),
                        preferred_element_type=jnp.float32)
    x = x + b_ref[...]
    mu = jnp.mean(x, axis=1, keepdims=True)
    xc = x - mu
    var = jnp.mean(xc * xc, axis=1, keepdims=True)
    y = xc * lax.rsqrt(var + EPS) * g_ref[...] + be_ref[...]
    o_ref[...] = jnp.maximum(y, 0.0)


def _tc_finish(accp, h, W, b, gamma, beta):
    blk = 2000
    grid = (N // blk,)
    return pl.pallas_call(
        _tc_finish_kernel,
        grid=grid,
        in_specs=[
            pl.BlockSpec((NUM_CORES, blk, D), lambda i: (0, i, 0)),
            pl.BlockSpec((blk, D), lambda i: (i, 0)),
            pl.BlockSpec((D, D), lambda i: (0, 0)),
            pl.BlockSpec((1, D), lambda i: (0, 0)),
            pl.BlockSpec((1, D), lambda i: (0, 0)),
            pl.BlockSpec((1, D), lambda i: (0, 0)),
        ],
        out_specs=pl.BlockSpec((blk, D), lambda i: (i, 0)),
        out_shape=jax.ShapeDtypeStruct((N, D), jnp.float32),
    )(accp, h, W, b, gamma, beta)


def kernel(h, edge_index, W, b, gamma, beta):
    src = edge_index[0].reshape(NW, CHUNKS_PER_W, CHUNK)
    dst = edge_index[1].reshape(NW, CHUNKS_PER_W, CHUNK)
    zero = jnp.zeros((ROWS_PER_TILE, D), jnp.float32)
    accp = _sc_scatter(h, src, dst, zero)
    return _tc_finish(accp, h, W.astype(jnp.float32),
                      b.reshape(1, D), gamma.reshape(1, D), beta.reshape(1, D))

# --- scband reference (transcript-rebuilt; emitter-appended) ---
"""Pipeline reference for scband-gcnlayer-5514738008947 (READ-ONLY COPY).

The authoritative reference and input builder live on the scoring server;
editing this copy changes nothing except your own understanding.
"""

import jax, jax.numpy as jnp
import numpy as np

N = 10000
E = 320000
D = 128
EPS = 1e-5


def setup_inputs(seed: int = 0) -> dict:
    key = jax.random.key(seed)
    k1, k2, k3 = jax.random.split(key, 3)
    h = jax.random.normal(k1, (N, D), dtype=jnp.float32)
    edge_index = jax.random.randint(k2, (2, E), 0, N, dtype=jnp.int32)
    # nn.Linear(in_feats=D, out_feats=D): weight [D, D], bias [D]
    bound = 1.0 / np.sqrt(D)
    W = jax.random.uniform(k3, (D, D), dtype=jnp.float32, minval=-bound, maxval=bound)
    b = jnp.zeros((D,), dtype=jnp.float32)
    # nn.LayerNorm(D): gamma=1, beta=0
    gamma = jnp.ones((D,), dtype=jnp.float32)
    beta = jnp.zeros((D,), dtype=jnp.float32)
    return {"h": h, "edge_index": edge_index, "W": W, "b": b, "gamma": gamma, "beta": beta}


def reference(h, edge_index, W, b, gamma, beta):
    src = edge_index[0]
    dst = edge_index[1]
    # agg = zeros_like(h); agg.scatter_add_(0, dst, h[src])
    agg = jnp.zeros_like(h).at[dst].add(h[src])
    # linear(agg + h)
    x = (agg + h) @ W.T + b
    # LayerNorm over last dim (population variance, eps=1e-5)
    mu = jnp.mean(x, axis=-1, keepdims=True)
    var = jnp.var(x, axis=-1, keepdims=True)
    xn = (x - mu) / jnp.sqrt(var + EPS)
    y = gamma * xn + beta
    # dropout is identity in eval mode
    return jax.nn.relu(y)

if __name__ == "__main__":
    import jax
    _d = setup_inputs()
    print(jax.jit(kernel)(*tuple(_d.values())))

</pallas_src>

<mosaic_0001>
#map = affine_map<(d0, d1) -> (0, 0)>
#map1 = affine_map<(d0, d1) -> (0, 0, 0)>
module attributes {stable_mosaic.version = 14 : i64} {
  func.func @_sc_scatter_kernel(%arg0: i32, %arg1: i32, %arg2: memref<10000x128xf32, #tpu.memory_space<hbm>>, %arg3: memref<32x125x80xi32, #tpu.memory_space<hbm>>, %arg4: memref<32x125x80xi32, #tpu.memory_space<hbm>>, %arg5: memref<632x128xf32, #tpu.memory_space<hbm>>, %arg6: memref<2x10112x128xf32, #tpu.memory_space<hbm>>, %arg7: memref<64x80xi32, #tpu.memory_space<vmem>>, %arg8: memref<64x80xi32, #tpu.memory_space<vmem>>, %arg9: memref<80x128xf32, #tpu.memory_space<vmem>>, %arg10: memref<80x128xf32, #tpu.memory_space<vmem>>, %arg11: memref<80x128xf32, #tpu.memory_space<vmem>>, %arg12: memref<10112x128xf32, #tpu.memory_space<vmem_shared>>, %arg13: memref<!tpu.dma_semaphore, #tpu.memory_space<semaphore_mem>>, %arg14: memref<!tpu.dma_semaphore, #tpu.memory_space<semaphore_mem>>, %arg15: memref<!tpu.dma_semaphore, #tpu.memory_space<semaphore_mem>>, %arg16: memref<!tpu.dma_semaphore, #tpu.memory_space<semaphore_mem>>, %arg17: memref<!tpu.dma_semaphore, #tpu.memory_space<semaphore_mem>>, %arg18: memref<!tpu.dma_semaphore, #tpu.memory_space<semaphore_mem>>, %arg19: memref<!tpu.dma_semaphore, #tpu.memory_space<semaphore_mem>>) attributes {dimension_semantics = [#tpu.dimension_semantics<core_parallel>, #tpu.dimension_semantics<subcore_parallel>], iteration_bounds = array<i64: 2, 16>, scalar_prefetch = 0 : i64, scratch_operands = 13 : i64, tpu.core_type = #tpu.core_type<sc_vector_subcore>, window_params = [{transform_indices = #map}, {transform_indices = #map1}, {transform_indices = #map1}, {transform_indices = #map}, {transform_indices = #map1}]} {
    %mul3A = arith.constant 2 : i32
    %mul3A_0 = arith.muli %arg1, %mul3A : i32
    %add3A = arith.addi %mul3A_0, %arg0 : i32
    %mul3A_1 = arith.constant 632 : i32
    %mul3A_2 = arith.muli %arg1, %mul3A_1 : i32
    %dma_start3A = arith.constant 0 : i32
    %dma_start3A_3 = tpu.memref_slice %arg12[%mul3A_2, %dma_start3A] : memref<10112x128xf32, #tpu.memory_space<vmem_shared>> -> memref<632x128xf32, #tpu.memory_space<vmem_shared>>
    tpu.enqueue_dma source(%arg5 : memref<632x128xf32, #tpu.memory_space<hbm>>) target(%dma_start3A_3 : memref<632x128xf32, #tpu.memory_space<vmem_shared>>) target_semaphore(%arg19 : memref<!tpu.dma_semaphore, #tpu.memory_space<semaphore_mem>>)
    "tpu.region"() ({
      %run_scoped3A = tpu.sem_alloc : memref<!tpu.dma_semaphore, #tpu.memory_space<semaphore_mem>>
      %dma_start3A_89 = arith.constant 0 : i32
      %dma_start3A_90 = arith.constant 0 : i32
      %dma_start3A_91 = tpu.memref_slice %arg7[%dma_start3A_89, %dma_start3A_90] : memref<64x80xi32, #tpu.memory_space<vmem>> -> memref<64x80xi32, #tpu.memory_space<vmem>>
      %dma_start3A_92 = arith.constant 0 : i32
      %dma_start3A_93 = arith.constant 0 : i32
      %dma_start3A_94 = tpu.memref_slice %arg3[%add3A, %dma_start3A_92, %dma_start3A_93] : memref<32x125x80xi32, #tpu.memory_space<hbm>> -> memref<1x64x80xi32, #tpu.memory_space<hbm>>
      %dma_start3A_95 = tpu.memref_squeeze %dma_start3A_94 : memref<1x64x80xi32, #tpu.memory_space<hbm>> -> memref<64x80xi32, #tpu.memory_space<hbm>>
      %dma_start3A_96 = arith.constant 0 : i32
      %dma_start3A_97 = arith.constant 0 : i32
      %dma_start3A_98 = tpu.memref_slice %arg7[%dma_start3A_96, %dma_start3A_97] : memref<64x80xi32, #tpu.memory_space<vmem>> -> memref<64x80xi32, #tpu.memory_space<vmem>>
      %dma_start3A_99 = arith.constant 0 : i32
      %dma_start3A_100 = arith.constant 0 : i32
      %dma_start3A_101 = tpu.memref_slice %arg3[%add3A, %dma_start3A_99, %dma_start3A_100] : memref<32x125x80xi32, #tpu.memory_space<hbm>> -> memref<1x64x80xi32, #tpu.memory_space<hbm>>
      %dma_start3A_102 = tpu.memref_squeeze %dma_start3A_101 : memref<1x64x80xi32, #tpu.memory_space<hbm>> -> memref<64x80xi32, #tpu.memory_space<hbm>>
      tpu.enqueue_dma source(%dma_start3A_102 : memref<64x80xi32, #tpu.memory_space<hbm>>) target(%dma_start3A_98 : memref<64x80xi32, #tpu.memory_space<vmem>>) target_semaphore(%run_scoped3A : memref<!tpu.dma_semaphore, #tpu.memory_space<semaphore_mem>>)
      %dma_wait3A_103 = arith.constant 0 : i32
      %dma_wait3A_104 = arith.constant 0 : i32
      %dma_wait3A_105 = tpu.memref_slice %arg7[%dma_wait3A_103, %dma_wait3A_104] : memref<64x80xi32, #tpu.memory_space<vmem>> -> memref<64x80xi32, #tpu.memory_space<vmem>>
      %dma_wait3A_106 = arith.constant 0 : i32
      %dma_wait3A_107 = arith.constant 0 : i32
      %dma_wait3A_108 = tpu.memref_slice %arg3[%add3A, %dma_wait3A_106, %dma_wait3A_107] : memref<32x125x80xi32, #tpu.memory_space<hbm>> -> memref<1x64x80xi32, #tpu.memory_space<hbm>>
      %dma_wait3A_109 = tpu.memref_squeeze %dma_wait3A_108 : memref<1x64x80xi32, #tpu.memory_space<hbm>> -> memref<64x80xi32, #tpu.memory_space<hbm>>
      %dma_wait3A_110 = arith.constant 0 : i32
      %dma_wait3A_111 = arith.constant 0 : i32
      %dma_wait3A_112 = tpu.memref_slice %arg7[%dma_wait3A_110, %dma_wait3A_111] : memref<64x80xi32, #tpu.memory_space<vmem>> -> memref<64x80xi32, #tpu.memory_space<vmem>>
      %dma_wait3A_113 = arith.constant 0 : i32
      %dma_wait3A_114 = arith.constant 0 : i32
      %dma_wait3A_115 = tpu.memref_slice %arg3[%add3A, %dma_wait3A_113, %dma_wait3A_114] : memref<32x125x80xi32, #tpu.memory_space<hbm>> -> memref<1x64x80xi32, #tpu.memory_space<hbm>>
      %dma_wait3A_116 = tpu.memref_squeeze %dma_wait3A_115 : memref<1x64x80xi32, #tpu.memory_space<hbm>> -> memref<64x80xi32, #tpu.memory_space<hbm>>
      tpu.wait_dma2 semaphore(%run_scoped3A : memref<!tpu.dma_semaphore, #tpu.memory_space<semaphore_mem>>) src(%dma_wait3A_116 : memref<64x80xi32, #tpu.memory_space<hbm>>) dst(%dma_wait3A_112 : memref<64x80xi32, #tpu.memory_space<vmem>>)
      tpu.yield
    }) : () -> ()
    "tpu.region"() ({
      %run_scoped3A = tpu.sem_alloc : memref<!tpu.dma_semaphore, #tpu.memory_space<semaphore_mem>>
      %dma_start3A_89 = arith.constant 0 : i32
      %dma_start3A_90 = arith.constant 0 : i32
      %dma_start3A_91 = tpu.memref_slice %arg8[%dma_start3A_89, %dma_start3A_90] : memref<64x80xi32, #tpu.memory_space<vmem>> -> memref<64x80xi32, #tpu.memory_space<vmem>>
      %dma_start3A_92 = arith.constant 0 : i32
      %dma_start3A_93 = arith.constant 0 : i32
      %dma_start3A_94 = tpu.memref_slice %arg4[%add3A, %dma_start3A_92, %dma_start3A_93] : memref<32x125x80xi32, #tpu.memory_space<hbm>> -> memref<1x64x80xi32, #tpu.memory_space<hbm>>
      %dma_start3A_95 = tpu.memref_squeeze %dma_start3A_94 : memref<1x64x80xi32, #tpu.memory_space<hbm>> -> memref<64x80xi32, #tpu.memory_space<hbm>>
      %dma_start3A_96 = arith.constant 0 : i32
      %dma_start3A_97 = arith.constant 0 : i32
      %dma_start3A_98 = tpu.memref_slice %arg8[%dma_start3A_96, %dma_start3A_97] : memref<64x80xi32, #tpu.memory_space<vmem>> -> memref<64x80xi32, #tpu.memory_space<vmem>>
      %dma_start3A_99 = arith.constant 0 : i32
      %dma_start3A_100 = arith.constant 0 : i32
      %dma_start3A_101 = tpu.memref_slice %arg4[%add3A, %dma_start3A_99, %dma_start3A_100] : memref<32x125x80xi32, #tpu.memory_space<hbm>> -> memref<1x64x80xi32, #tpu.memory_space<hbm>>
      %dma_start3A_102 = tpu.memref_squeeze %dma_start3A_101 : memref<1x64x80xi32, #tpu.memory_space<hbm>> -> memref<64x80xi32, #tpu.memory_space<hbm>>
      tpu.enqueue_dma source(%dma_start3A_102 : memref<64x80xi32, #tpu.memory_space<hbm>>) target(%dma_start3A_98 : memref<64x80xi32, #tpu.memory_space<vmem>>) target_semaphore(%run_scoped3A : memref<!tpu.dma_semaphore, #tpu.memory_space<semaphore_mem>>)
      %dma_wait3A_103 = arith.constant 0 : i32
      %dma_wait3A_104 = arith.constant 0 : i32
      %dma_wait3A_105 = tpu.memref_slice %arg8[%dma_wait3A_103, %dma_wait3A_104] : memref<64x80xi32, #tpu.memory_space<vmem>> -> memref<64x80xi32, #tpu.memory_space<vmem>>
      %dma_wait3A_106 = arith.constant 0 : i32
      %dma_wait3A_107 = arith.constant 0 : i32
      %dma_wait3A_108 = tpu.memref_slice %arg4[%add3A, %dma_wait3A_106, %dma_wait3A_107] : memref<32x125x80xi32, #tpu.memory_space<hbm>> -> memref<1x64x80xi32, #tpu.memory_space<hbm>>
      %dma_wait3A_109 = tpu.memref_squeeze %dma_wait3A_108 : memref<1x64x80xi32, #tpu.memory_space<hbm>> -> memref<64x80xi32, #tpu.memory_space<hbm>>
      %dma_wait3A_110 = arith.constant 0 : i32
      %dma_wait3A_111 = arith.constant 0 : i32
      %dma_wait3A_112 = tpu.memref_slice %arg8[%dma_wait3A_110, %dma_wait3A_111] : memref<64x80xi32, #tpu.memory_space<vmem>> -> memref<64x80xi32, #tpu.memory_space<vmem>>
      %dma_wait3A_113 = arith.constant 0 : i32
      %dma_wait3A_114 = arith.constant 0 : i32
      %dma_wait3A_115 = tpu.memref_slice %arg4[%add3A, %dma_wait3A_113, %dma_wait3A_114] : memref<32x125x80xi32, #tpu.memory_space<hbm>> -> memref<1x64x80xi32, #tpu.memory_space<hbm>>
      %dma_wait3A_116 = tpu.memref_squeeze %dma_wait3A_115 : memref<1x64x80xi32, #tpu.memory_space<hbm>> -> memref<64x80xi32, #tpu.memory_space<hbm>>
      tpu.wait_dma2 semaphore(%run_scoped3A : memref<!tpu.dma_semaphore, #tpu.memory_space<semaphore_mem>>) src(%dma_wait3A_116 : memref<64x80xi32, #tpu.memory_space<hbm>>) dst(%dma_wait3A_112 : memref<64x80xi32, #tpu.memory_space<vmem>>)
      tpu.yield
    }) : () -> ()
    %dma_start3A_4 = arith.constant 0 : i32
    %dma_start3A_5 = arith.constant 0 : i32
    %dma_start3A_6 = tpu.memref_slice %arg7[%dma_start3A_4, %dma_start3A_5] : memref<64x80xi32, #tpu.memory_space<vmem>> -> memref<1x80xi32, #tpu.memory_space<vmem>>
    %dma_start3A_7 = tpu.memref_squeeze %dma_start3A_6 : memref<1x80xi32, #tpu.memory_space<vmem>> -> memref<80xi32, #tpu.memory_space<vmem>>
    %dma_start3A_8 = arith.constant 0 : i32
    %dma_start3A_9 = arith.constant 0 : i32
    %dma_start3A_10 = tpu.memref_slice %arg2[%dma_start3A_8, %dma_start3A_9] : memref<10000x128xf32, #tpu.memory_space<hbm>> -> memref<10000x128xf32, #tpu.memory_space<hbm>>
    tpu.enqueue_indirect_dma source(%dma_start3A_10 : memref<10000x128xf32, #tpu.memory_space<hbm>>) target(%arg9 : memref<80x128xf32, #tpu.memory_space<vmem>>) offsets(%dma_start3A_7 : memref<80xi32, #tpu.memory_space<vmem>>) semaphore(%arg13 : memref<!tpu.dma_semaphore, #tpu.memory_space<semaphore_mem>>)
    %dma_start3A_11 = arith.constant 1 : i32
    %dma_start3A_12 = arith.constant 0 : i32
    %dma_start3A_13 = tpu.memref_slice %arg7[%dma_start3A_11, %dma_start3A_12] : memref<64x80xi32, #tpu.memory_space<vmem>> -> memref<1x80xi32, #tpu.memory_space<vmem>>
    %dma_start3A_14 = tpu.memref_squeeze %dma_start3A_13 : memref<1x80xi32, #tpu.memory_space<vmem>> -> memref<80xi32, #tpu.memory_space<vmem>>
    %dma_start3A_15 = arith.constant 0 : i32
    %dma_start3A_16 = arith.constant 0 : i32
    %dma_start3A_17 = tpu.memref_slice %arg2[%dma_start3A_15, %dma_start3A_16] : memref<10000x128xf32, #tpu.memory_space<hbm>> -> memref<10000x128xf32, #tpu.memory_space<hbm>>
    tpu.enqueue_indirect_dma source(%dma_start3A_17 : memref<10000x128xf32, #tpu.memory_space<hbm>>) target(%arg10 : memref<80x128xf32, #tpu.memory_space<vmem>>) offsets(%dma_start3A_14 : memref<80xi32, #tpu.memory_space<vmem>>) semaphore(%arg14 : memref<!tpu.dma_semaphore, #tpu.memory_space<semaphore_mem>>)
    %dma_wait3A = arith.constant 0 : i32
    %dma_wait3A_18 = tpu.memref_slice %arg12[%mul3A_2, %dma_wait3A] : memref<10112x128xf32, #tpu.memory_space<vmem_shared>> -> memref<632x128xf32, #tpu.memory_space<vmem_shared>>
    tpu.wait_dma2 semaphore(%arg19 : memref<!tpu.dma_semaphore, #tpu.memory_space<semaphore_mem>>) src(%arg5 : memref<632x128xf32, #tpu.memory_space<hbm>>) dst(%dma_wait3A_18 : memref<632x128xf32, #tpu.memory_space<vmem_shared>>)
    %barrier3A = arith.constant 0 : index
    tpu.barrier barrier_id(%barrier3A)
    %scan3A = arith.constant 0 : i32
    %scan3A_19 = arith.constant 0 : i32
    %scan3A_20 = arith.constant 21 : i32
    %scan3A_21 = arith.addi %scan3A_19, %scan3A_20 : i32
    %scan3A_22 = arith.constant 1 : i32
    scf.for %scan3A_89 = %scan3A_19 to %scan3A_21 step %scan3A_22  : i32 {
      %mul3A_90 = arith.constant 3 : i32
      %mul3A_91 = arith.muli %mul3A_90, %scan3A_89 : i32
      %add3A_92 = arith.constant 1 : i32
      %add3A_93 = arith.addi %mul3A_91, %add3A_92 : i32
      %add3A_94 = arith.constant 2 : i32
      %add3A_95 = arith.addi %mul3A_91, %add3A_94 : i32
      %dma_wait3A_96 = arith.constant 0 : i32
      %dma_wait3A_97 = tpu.memref_slice %arg7[%mul3A_91, %dma_wait3A_96] : memref<64x80xi32, #tpu.memory_space<vmem>> -> memref<1x80xi32, #tpu.memory_space<vmem>>
      %dma_wait3A_98 = tpu.memref_squeeze %dma_wait3A_97 : memref<1x80xi32, #tpu.memory_space<vmem>> -> memref<80xi32, #tpu.memory_space<vmem>>
      %dma_wait3A_99 = arith.constant 0 : i32
      %dma_wait3A_100 = arith.constant 0 : i32
      %dma_wait3A_101 = tpu.memref_slice %arg2[%dma_wait3A_99, %dma_wait3A_100] : memref<10000x128xf32, #tpu.memory_space<hbm>> -> memref<10000x128xf32, #tpu.memory_space<hbm>>
      tpu.wait_indirect_dma semaphore(%arg13 : memref<!tpu.dma_semaphore, #tpu.memory_space<semaphore_mem>>) src(%dma_wait3A_101 : memref<10000x128xf32, #tpu.memory_space<hbm>>) dst(%arg9 : memref<80x128xf32, #tpu.memory_space<vmem>>)
      %dma_start3A_102 = arith.constant 0 : i32
      %dma_start3A_103 = tpu.memref_slice %arg7[%add3A_95, %dma_start3A_102] : memref<64x80xi32, #tpu.memory_space<vmem>> -> memref<1x80xi32, #tpu.memory_space<vmem>>
      %dma_start3A_104 = tpu.memref_squeeze %dma_start3A_103 : memref<1x80xi32, #tpu.memory_space<vmem>> -> memref<80xi32, #tpu.memory_space<vmem>>
      %dma_start3A_105 = arith.constant 0 : i32
      %dma_start3A_106 = arith.constant 0 : i32
      %dma_start3A_107 = tpu.memref_slice %arg2[%dma_start3A_105, %dma_start3A_106] : memref<10000x128xf32, #tpu.memory_space<hbm>> -> memref<10000x128xf32, #tpu.memory_space<hbm>>
      tpu.enqueue_indirect_dma source(%dma_start3A_107 : memref<10000x128xf32, #tpu.memory_space<hbm>>) target(%arg11 : memref<80x128xf32, #tpu.memory_space<vmem>>) offsets(%dma_start3A_104 : memref<80xi32, #tpu.memory_space<vmem>>) semaphore(%arg15 : memref<!tpu.dma_semaphore, #tpu.memory_space<semaphore_mem>>)
      %dma_start3A_108 = arith.constant 0 : i32
      %dma_start3A_109 = tpu.memref_slice %arg8[%mul3A_91, %dma_start3A_108] : memref<64x80xi32, #tpu.memory_space<vmem>> -> memref<1x80xi32, #tpu.memory_space<vmem>>
      %dma_start3A_110 = tpu.memref_squeeze %dma_start3A_109 : memref<1x80xi32, #tpu.memory_space<vmem>> -> memref<80xi32, #tpu.memory_space<vmem>>
      %dma_start3A_111 = arith.constant 0 : i32
      %dma_start3A_112 = arith.constant 0 : i32
      %dma_start3A_113 = tpu.memref_slice %arg12[%dma_start3A_111, %dma_start3A_112] : memref<10112x128xf32, #tpu.memory_space<vmem_shared>> -> memref<10112x128xf32, #tpu.memory_space<vmem_shared>>
      tpu.enqueue_indirect_dma source(%arg9 : memref<80x128xf32, #tpu.memory_space<vmem>>) target(%dma_start3A_113 : memref<10112x128xf32, #tpu.memory_space<vmem_shared>>) offsets(%dma_start3A_110 : memref<80xi32, #tpu.memory_space<vmem>>) semaphore(%arg16 : memref<!tpu.dma_semaphore, #tpu.memory_space<semaphore_mem>>) {add = true}
      %dma_wait3A_114 = arith.constant 0 : i32
      %dma_wait3A_115 = tpu.memref_slice %arg7[%add3A_93, %dma_wait3A_114] : memref<64x80xi32, #tpu.memory_space<vmem>> -> memref<1x80xi32, #tpu.memory_space<vmem>>
      %dma_wait3A_116 = tpu.memref_squeeze %dma_wait3A_115 : memref<1x80xi32, #tpu.memory_space<vmem>> -> memref<80xi32, #tpu.memory_space<vmem>>
      %dma_wait3A_117 = arith.constant 0 : i32
      %dma_wait3A_118 = arith.constant 0 : i32
      %dma_wait3A_119 = tpu.memref_slice %arg2[%dma_wait3A_117, %dma_wait3A_118] : memref<10000x128xf32, #tpu.memory_space<hbm>> -> memref<10000x128xf32, #tpu.memory_space<hbm>>
      tpu.wait_indirect_dma semaphore(%arg14 : memref<!tpu.dma_semaphore, #tpu.memory_space<semaphore_mem>>) src(%dma_wait3A_119 : memref<10000x128xf32, #tpu.memory_space<hbm>>) dst(%arg10 : memref<80x128xf32, #tpu.memory_space<vmem>>)
      %dma_wait3A_120 = arith.constant 0 : i32
      %dma_wait3A_121 = tpu.memref_slice %arg8[%mul3A_91, %dma_wait3A_120] : memref<64x80xi32, #tpu.memory_space<vmem>> -> memref<1x80xi32, #tpu.memory_space<vmem>>
      %dma_wait3A_122 = tpu.memref_squeeze %dma_wait3A_121 : memref<1x80xi32, #tpu.memory_space<vmem>> -> memref<80xi32, #tpu.memory_space<vmem>>
      %dma_wait3A_123 = arith.constant 0 : i32
      %dma_wait3A_124 = arith.constant 0 : i32
      %dma_wait3A_125 = tpu.memref_slice %arg12[%dma_wait3A_123, %dma_wait3A_124] : memref<10112x128xf32, #tpu.memory_space<vmem_shared>> -> memref<10112x128xf32, #tpu.memory_space<vmem_shared>>
      tpu.wait_indirect_dma semaphore(%arg16 : memref<!tpu.dma_semaphore, #tpu.memory_space<semaphore_mem>>) src(%arg9 : memref<80x128xf32, #tpu.memory_space<vmem>>) dst(%dma_wait3A_125 : memref<10112x128xf32, #tpu.memory_space<vmem_shared>>)
      %add3A_126 = arith.constant 3 : i32
      %add3A_127 = arith.addi %mul3A_91, %add3A_126 : i32
      %dma_start3A_128 = arith.constant 0 : i32
      %dma_start3A_129 = tpu.memref_slice %arg7[%add3A_127, %dma_start3A_128] : memref<64x80xi32, #tpu.memory_space<vmem>> -> memref<1x80xi32, #tpu.memory_space<vmem>>
      %dma_start3A_130 = tpu.memref_squeeze %dma_start3A_129 : memref<1x80xi32, #tpu.memory_space<vmem>> -> memref<80xi32, #tpu.memory_space<vmem>>
      %dma_start3A_131 = arith.constant 0 : i32
      %dma_start3A_132 = arith.constant 0 : i32
      %dma_start3A_133 = tpu.memref_slice %arg2[%dma_start3A_131, %dma_start3A_132] : memref<10000x128xf32, #tpu.memory_space<hbm>> -> memref<10000x128xf32, #tpu.memory_space<hbm>>
      tpu.enqueue_indirect_dma source(%dma_start3A_133 : memref<10000x128xf32, #tpu.memory_space<hbm>>) target(%arg9 : memref<80x128xf32, #tpu.memory_space<vmem>>) offsets(%dma_start3A_130 : memref<80xi32, #tpu.memory_space<vmem>>) semaphore(%arg13 : memref<!tpu.dma_semaphore, #tpu.memory_space<semaphore_mem>>)
      %dma_start3A_134 = arith.constant 0 : i32
      %dma_start3A_135 = tpu.memref_slice %arg8[%add3A_93, %dma_start3A_134] : memref<64x80xi32, #tpu.memory_space<vmem>> -> memref<1x80xi32, #tpu.memory_space<vmem>>
      %dma_start3A_136 = tpu.memref_squeeze %dma_start3A_135 : memref<1x80xi32, #tpu.memory_space<vmem>> -> memref<80xi32, #tpu.memory_space<vmem>>
      %dma_start3A_137 = arith.constant 0 : i32
      %dma_start3A_138 = arith.constant 0 : i32
      %dma_start3A_139 = tpu.memref_slice %arg12[%dma_start3A_137, %dma_start3A_138] : memref<10112x128xf32, #tpu.memory_space<vmem_shared>> -> memref<10112x128xf32, #tpu.memory_space<vmem_shared>>
      tpu.enqueue_indirect_dma source(%arg10 : memref<80x128xf32, #tpu.memory_space<vmem>>) target(%dma_start3A_139 : memref<10112x128xf32, #tpu.memory_space<vmem_shared>>) offsets(%dma_start3A_136 : memref<80xi32, #tpu.memory_space<vmem>>) semaphore(%arg17 : memref<!tpu.dma_semaphore, #tpu.memory_space<semaphore_mem>>) {add = true}
      %dma_wait3A_140 = arith.constant 0 : i32
      %dma_wait3A_141 = tpu.memref_slice %arg7[%add3A_95, %dma_wait3A_140] : memref<64x80xi32, #tpu.memory_space<vmem>> -> memref<1x80xi32, #tpu.memory_space<vmem>>
      %dma_wait3A_142 = tpu.memref_squeeze %dma_wait3A_141 : memref<1x80xi32, #tpu.memory_space<vmem>> -> memref<80xi32, #tpu.memory_space<vmem>>
      %dma_wait3A_143 = arith.constant 0 : i32
      %dma_wait3A_144 = arith.constant 0 : i32
      %dma_wait3A_145 = tpu.memref_slice %arg2[%dma_wait3A_143, %dma_wait3A_144] : memref<10000x128xf32, #tpu.memory_space<hbm>> -> memref<10000x128xf32, #tpu.memory_space<hbm>>
      tpu.wait_indirect_dma semaphore(%arg15 : memref<!tpu.dma_semaphore, #tpu.memory_space<semaphore_mem>>) src(%dma_wait3A_145 : memref<10000x128xf32, #tpu.memory_space<hbm>>) dst(%arg11 : memref<80x128xf32, #tpu.memory_space<vmem>>)
      %dma_wait3A_146 = arith.constant 0 : i32
      %dma_wait3A_147 = tpu.memref_slice %arg8[%add3A_93, %dma_wait3A_146] : memref<64x80xi32, #tpu.memory_space<vmem>> -> memref<1x80xi32, #tpu.memory_space<vmem>>
      %dma_wait3A_148 = tpu.memref_squeeze %dma_wait3A_147 : memref<1x80xi32, #tpu.memory_space<vmem>> -> memref<80xi32, #tpu.memory_space<vmem>>
      %dma_wait3A_149 = arith.constant 0 : i32
      %dma_wait3A_150 = arith.constant 0 : i32
      %dma_wait3A_151 = tpu.memref_slice %arg12[%dma_wait3A_149, %dma_wait3A_150] : memref<10112x128xf32, #tpu.memory_space<vmem_shared>> -> memref<10112x128xf32, #tpu.memory_space<vmem_shared>>
      tpu.wait_indirect_dma semaphore(%arg17 : memref<!tpu.dma_semaphore, #tpu.memory_space<semaphore_mem>>) src(%arg10 : memref<80x128xf32, #tpu.memory_space<vmem>>) dst(%dma_wait3A_151 : memref<10112x128xf32, #tpu.memory_space<vmem_shared>>)
      %lt3A = arith.constant 20 : i32
      %lt3A_152 = arith.cmpi slt, %scan3A_89, %lt3A : i32
      %convert_element_type3A = arith.extui %lt3A_152 : i1 to i32
      %cond3A = arith.constant 0 : i32
      %cond3A_153 = arith.cmpi ne, %convert_element_type3A, %cond3A : i32
      scf.if %cond3A_153 {
        %add3A_166 = arith.constant 4 : i32
        %add3A_167 = arith.addi %mul3A_91, %add3A_166 : i32
        %dma_start3A_168 = arith.constant 0 : i32
        %dma_start3A_169 = tpu.memref_slice %arg7[%add3A_167, %dma_start3A_168] : memref<64x80xi32, #tpu.memory_space<vmem>> -> memref<1x80xi32, #tpu.memory_space<vmem>>
        %dma_start3A_170 = tpu.memref_squeeze %dma_start3A_169 : memref<1x80xi32, #tpu.memory_space<vmem>> -> memref<80xi32, #tpu.memory_space<vmem>>
        %dma_start3A_171 = arith.constant 0 : i32
        %dma_start3A_172 = arith.constant 0 : i32
        %dma_start3A_173 = tpu.memref_slice %arg2[%dma_start3A_171, %dma_start3A_172] : memref<10000x128xf32, #tpu.memory_space<hbm>> -> memref<10000x128xf32, #tpu.memory_space<hbm>>
        tpu.enqueue_indirect_dma source(%dma_start3A_173 : memref<10000x128xf32, #tpu.memory_space<hbm>>) target(%arg10 : memref<80x128xf32, #tpu.memory_space<vmem>>) offsets(%dma_start3A_170 : memref<80xi32, #tpu.memory_space<vmem>>) semaphore(%arg14 : memref<!tpu.dma_semaphore, #tpu.memory_space<semaphore_mem>>)
      } else {
      }
      %dma_start3A_154 = arith.constant 0 : i32
      %dma_start3A_155 = tpu.memref_slice %arg8[%add3A_95, %dma_start3A_154] : memref<64x80xi32, #tpu.memory_space<vmem>> -> memref<1x80xi32, #tpu.memory_space<vmem>>
      %dma_start3A_156 = tpu.memref_squeeze %dma_start3A_155 : memref<1x80xi32, #tpu.memory_space<vmem>> -> memref<80xi32, #tpu.memory_space<vmem>>
      %dma_start3A_157 = arith.constant 0 : i32
      %dma_start3A_158 = arith.constant 0 : i32
      %dma_start3A_159 = tpu.memref_slice %arg12[%dma_start3A_157, %dma_start3A_158] : memref<10112x128xf32, #tpu.memory_space<vmem_shared>> -> memref<10112x128xf32, #tpu.memory_space<vmem_shared>>
      tpu.enqueue_indirect_dma source(%arg11 : memref<80x128xf32, #tpu.memory_space<vmem>>) target(%dma_start3A_159 : memref<10112x128xf32, #tpu.memory_space<vmem_shared>>) offsets(%dma_start3A_156 : memref<80xi32, #tpu.memory_space<vmem>>) semaphore(%arg18 : memref<!tpu.dma_semaphore, #tpu.memory_space<semaphore_mem>>) {add = true}
      %dma_wait3A_160 = arith.constant 0 : i32
      %dma_wait3A_161 = tpu.memref_slice %arg8[%add3A_95, %dma_wait3A_160] : memref<64x80xi32, #tpu.memory_space<vmem>> -> memref<1x80xi32, #tpu.memory_space<vmem>>
      %dma_wait3A_162 = tpu.memref_squeeze %dma_wait3A_161 : memref<1x80xi32, #tpu.memory_space<vmem>> -> memref<80xi32, #tpu.memory_space<vmem>>
      %dma_wait3A_163 = arith.constant 0 : i32
      %dma_wait3A_164 = arith.constant 0 : i32
      %dma_wait3A_165 = tpu.memref_slice %arg12[%dma_wait3A_163, %dma_wait3A_164] : memref<10112x128xf32, #tpu.memory_space<vmem_shared>> -> memref<10112x128xf32, #tpu.memory_space<vmem_shared>>
      tpu.wait_indirect_dma semaphore(%arg18 : memref<!tpu.dma_semaphore, #tpu.memory_space<semaphore_mem>>) src(%arg11 : memref<80x128xf32, #tpu.memory_space<vmem>>) dst(%dma_wait3A_165 : memref<10112x128xf32, #tpu.memory_space<vmem_shared>>)
    }
    %scan3A_23 = arith.constant 21 : i32
    %dma_wait3A_24 = arith.constant 63 : i32
    %dma_wait3A_25 = arith.constant 0 : i32
    %dma_wait3A_26 = tpu.memref_slice %arg7[%dma_wait3A_24, %dma_wait3A_25] : memref<64x80xi32, #tpu.memory_space<vmem>> -> memref<1x80xi32, #tpu.memory_space<vmem>>
    %dma_wait3A_27 = tpu.memref_squeeze %dma_wait3A_26 : memref<1x80xi32, #tpu.memory_space<vmem>> -> memref<80xi32, #tpu.memory_space<vmem>>
    %dma_wait3A_28 = arith.constant 0 : i32
    %dma_wait3A_29 = arith.constant 0 : i32
    %dma_wait3A_30 = tpu.memref_slice %arg2[%dma_wait3A_28, %dma_wait3A_29] : memref<10000x128xf32, #tpu.memory_space<hbm>> -> memref<10000x128xf32, #tpu.memory_space<hbm>>
    tpu.wait_indirect_dma semaphore(%arg13 : memref<!tpu.dma_semaphore, #tpu.memory_space<semaphore_mem>>) src(%dma_wait3A_30 : memref<10000x128xf32, #tpu.memory_space<hbm>>) dst(%arg9 : memref<80x128xf32, #tpu.memory_space<vmem>>)
    %dma_start3A_31 = arith.constant 63 : i32
    %dma_start3A_32 = arith.constant 0 : i32
    %dma_start3A_33 = tpu.memref_slice %arg8[%dma_start3A_31, %dma_start3A_32] : memref<64x80xi32, #tpu.memory_space<vmem>> -> memref<1x80xi32, #tpu.memory_space<vmem>>
    %dma_start3A_34 = tpu.memref_squeeze %dma_start3A_33 : memref<1x80xi32, #tpu.memory_space<vmem>> -> memref<80xi32, #tpu.memory_space<vmem>>
    %dma_start3A_35 = arith.constant 0 : i32
    %dma_start3A_36 = arith.constant 0 : i32
    %dma_start3A_37 = tpu.memref_slice %arg12[%dma_start3A_35, %dma_start3A_36] : memref<10112x128xf32, #tpu.memory_space<vmem_shared>> -> memref<10112x128xf32, #tpu.memory_space<vmem_shared>>
    tpu.enqueue_indirect_dma source(%arg9 : memref<80x128xf32, #tpu.memory_space<vmem>>) target(%dma_start3A_37 : memref<10112x128xf32, #tpu.memory_space<vmem_shared>>) offsets(%dma_start3A_34 : memref<80xi32, #tpu.memory_space<vmem>>) semaphore(%arg16 : memref<!tpu.dma_semaphore, #tpu.memory_space<semaphore_mem>>) {add = true}
    %dma_wait3A_38 = arith.constant 63 : i32
    %dma_wait3A_39 = arith.constant 0 : i32
    %dma_wait3A_40 = tpu.memref_slice %arg8[%dma_wait3A_38, %dma_wait3A_39] : memref<64x80xi32, #tpu.memory_space<vmem>> -> memref<1x80xi32, #tpu.memory_space<vmem>>
    %dma_wait3A_41 = tpu.memref_squeeze %dma_wait3A_40 : memref<1x80xi32, #tpu.memory_space<vmem>> -> memref<80xi32, #tpu.memory_space<vmem>>
    %dma_wait3A_42 = arith.constant 0 : i32
    %dma_wait3A_43 = arith.constant 0 : i32
    %dma_wait3A_44 = tpu.memref_slice %arg12[%dma_wait3A_42, %dma_wait3A_43] : memref<10112x128xf32, #tpu.memory_space<vmem_shared>> -> memref<10112x128xf32, #tpu.memory_space<vmem_shared>>
    tpu.wait_indirect_dma semaphore(%arg16 : memref<!tpu.dma_semaphore, #tpu.memory_space<semaphore_mem>>) src(%arg9 : memref<80x128xf32, #tpu.memory_space<vmem>>) dst(%dma_wait3A_44 : memref<10112x128xf32, #tpu.memory_space<vmem_shared>>)
    "tpu.region"() ({
      %run_scoped3A = tpu.sem_alloc : memref<!tpu.dma_semaphore, #tpu.memory_space<semaphore_mem>>
      %dma_start3A_89 = arith.constant 0 : i32
      %dma_start3A_90 = arith.constant 0 : i32
      %dma_start3A_91 = tpu.memref_slice %arg7[%dma_start3A_89, %dma_start3A_90] : memref<64x80xi32, #tpu.memory_space<vmem>> -> memref<61x80xi32, #tpu.memory_space<vmem>>
      %dma_start3A_92 = arith.constant 64 : i32
      %dma_start3A_93 = arith.constant 0 : i32
      %dma_start3A_94 = tpu.memref_slice %arg3[%add3A, %dma_start3A_92, %dma_start3A_93] : memref<32x125x80xi32, #tpu.memory_space<hbm>> -> memref<1x61x80xi32, #tpu.memory_space<hbm>>
      %dma_start3A_95 = tpu.memref_squeeze %dma_start3A_94 : memref<1x61x80xi32, #tpu.memory_space<hbm>> -> memref<61x80xi32, #tpu.memory_space<hbm>>
      %dma_start3A_96 = arith.constant 0 : i32
      %dma_start3A_97 = arith.constant 0 : i32
      %dma_start3A_98 = tpu.memref_slice %arg7[%dma_start3A_96, %dma_start3A_97] : memref<64x80xi32, #tpu.memory_space<vmem>> -> memref<61x80xi32, #tpu.memory_space<vmem>>
      %dma_start3A_99 = arith.constant 64 : i32
      %dma_start3A_100 = arith.constant 0 : i32
      %dma_start3A_101 = tpu.memref_slice %arg3[%add3A, %dma_start3A_99, %dma_start3A_100] : memref<32x125x80xi32, #tpu.memory_space<hbm>> -> memref<1x61x80xi32, #tpu.memory_space<hbm>>
      %dma_start3A_102 = tpu.memref_squeeze %dma_start3A_101 : memref<1x61x80xi32, #tpu.memory_space<hbm>> -> memref<61x80xi32, #tpu.memory_space<hbm>>
      tpu.enqueue_dma source(%dma_start3A_102 : memref<61x80xi32, #tpu.memory_space<hbm>>) target(%dma_start3A_98 : memref<61x80xi32, #tpu.memory_space<vmem>>) target_semaphore(%run_scoped3A : memref<!tpu.dma_semaphore, #tpu.memory_space<semaphore_mem>>)
      %dma_wait3A_103 = arith.constant 0 : i32
      %dma_wait3A_104 = arith.constant 0 : i32
      %dma_wait3A_105 = tpu.memref_slice %arg7[%dma_wait3A_103, %dma_wait3A_104] : memref<64x80xi32, #tpu.memory_space<vmem>> -> memref<61x80xi32, #tpu.memory_space<vmem>>
      %dma_wait3A_106 = arith.constant 64 : i32
      %dma_wait3A_107 = arith.constant 0 : i32
      %dma_wait3A_108 = tpu.memref_slice %arg3[%add3A, %dma_wait3A_106, %dma_wait3A_107] : memref<32x125x80xi32, #tpu.memory_space<hbm>> -> memref<1x61x80xi32, #tpu.memory_space<hbm>>
      %dma_wait3A_109 = tpu.memref_squeeze %dma_wait3A_108 : memref<1x61x80xi32, #tpu.memory_space<hbm>> -> memref<61x80xi32, #tpu.memory_space<hbm>>
      %dma_wait3A_110 = arith.constant 0 : i32
      %dma_wait3A_111 = arith.constant 0 : i32
      %dma_wait3A_112 = tpu.memref_slice %arg7[%dma_wait3A_110, %dma_wait3A_111] : memref<64x80xi32, #tpu.memory_space<vmem>> -> memref<61x80xi32, #tpu.memory_space<vmem>>
      %dma_wait3A_113 = arith.constant 64 : i32
      %dma_wait3A_114 = arith.constant 0 : i32
      %dma_wait3A_115 = tpu.memref_slice %arg3[%add3A, %dma_wait3A_113, %dma_wait3A_114] : memref<32x125x80xi32, #tpu.memory_space<hbm>> -> memref<1x61x80xi32, #tpu.memory_space<hbm>>
      %dma_wait3A_116 = tpu.memref_squeeze %dma_wait3A_115 : memref<1x61x80xi32, #tpu.memory_space<hbm>> -> memref<61x80xi32, #tpu.memory_space<hbm>>
      tpu.wait_dma2 semaphore(%run_scoped3A : memref<!tpu.dma_semaphore, #tpu.memory_space<semaphore_mem>>) src(%dma_wait3A_116 : memref<61x80xi32, #tpu.memory_space<hbm>>) dst(%dma_wait3A_112 : memref<61x80xi32, #tpu.memory_space<vmem>>)
      tpu.yield
    }) : () -> ()
    "tpu.region"() ({
      %run_scoped3A = tpu.sem_alloc : memref<!tpu.dma_semaphore, #tpu.memory_space<semaphore_mem>>
      %dma_start3A_89 = arith.constant 0 : i32
      %dma_start3A_90 = arith.constant 0 : i32
      %dma_start3A_91 = tpu.memref_slice %arg8[%dma_start3A_89, %dma_start3A_90] : memref<64x80xi32, #tpu.memory_space<vmem>> -> memref<61x80xi32, #tpu.memory_space<vmem>>
      %dma_start3A_92 = arith.constant 64 : i32
      %dma_start3A_93 = arith.constant 0 : i32
      %dma_start3A_94 = tpu.memref_slice %arg4[%add3A, %dma_start3A_92, %dma_start3A_93] : memref<32x125x80xi32, #tpu.memory_space<hbm>> -> memref<1x61x80xi32, #tpu.memory_space<hbm>>
      %dma_start3A_95 = tpu.memref_squeeze %dma_start3A_94 : memref<1x61x80xi32, #tpu.memory_space<hbm>> -> memref<61x80xi32, #tpu.memory_space<hbm>>
      %dma_start3A_96 = arith.constant 0 : i32
      %dma_start3A_97 = arith.constant 0 : i32
      %dma_start3A_98 = tpu.memref_slice %arg8[%dma_start3A_96, %dma_start3A_97] : memref<64x80xi32, #tpu.memory_space<vmem>> -> memref<61x80xi32, #tpu.memory_space<vmem>>
      %dma_start3A_99 = arith.constant 64 : i32
      %dma_start3A_100 = arith.constant 0 : i32
      %dma_start3A_101 = tpu.memref_slice %arg4[%add3A, %dma_start3A_99, %dma_start3A_100] : memref<32x125x80xi32, #tpu.memory_space<hbm>> -> memref<1x61x80xi32, #tpu.memory_space<hbm>>
      %dma_start3A_102 = tpu.memref_squeeze %dma_start3A_101 : memref<1x61x80xi32, #tpu.memory_space<hbm>> -> memref<61x80xi32, #tpu.memory_space<hbm>>
      tpu.enqueue_dma source(%dma_start3A_102 : memref<61x80xi32, #tpu.memory_space<hbm>>) target(%dma_start3A_98 : memref<61x80xi32, #tpu.memory_space<vmem>>) target_semaphore(%run_scoped3A : memref<!tpu.dma_semaphore, #tpu.memory_space<semaphore_mem>>)
      %dma_wait3A_103 = arith.constant 0 : i32
      %dma_wait3A_104 = arith.constant 0 : i32
      %dma_wait3A_105 = tpu.memref_slice %arg8[%dma_wait3A_103, %dma_wait3A_104] : memref<64x80xi32, #tpu.memory_space<vmem>> -> memref<61x80xi32, #tpu.memory_space<vmem>>
      %dma_wait3A_106 = arith.constant 64 : i32
      %dma_wait3A_107 = arith.constant 0 : i32
      %dma_wait3A_108 = tpu.memref_slice %arg4[%add3A, %dma_wait3A_106, %dma_wait3A_107] : memref<32x125x80xi32, #tpu.memory_space<hbm>> -> memref<1x61x80xi32, #tpu.memory_space<hbm>>
      %dma_wait3A_109 = tpu.memref_squeeze %dma_wait3A_108 : memref<1x61x80xi32, #tpu.memory_space<hbm>> -> memref<61x80xi32, #tpu.memory_space<hbm>>
      %dma_wait3A_110 = arith.constant 0 : i32
      %dma_wait3A_111 = arith.constant 0 : i32
      %dma_wait3A_112 = tpu.memref_slice %arg8[%dma_wait3A_110, %dma_wait3A_111] : memref<64x80xi32, #tpu.memory_space<vmem>> -> memref<61x80xi32, #tpu.memory_space<vmem>>
      %dma_wait3A_113 = arith.constant 64 : i32
      %dma_wait3A_114 = arith.constant 0 : i32
      %dma_wait3A_115 = tpu.memref_slice %arg4[%add3A, %dma_wait3A_113, %dma_wait3A_114] : memref<32x125x80xi32, #tpu.memory_space<hbm>> -> memref<1x61x80xi32, #tpu.memory_space<hbm>>
      %dma_wait3A_116 = tpu.memref_squeeze %dma_wait3A_115 : memref<1x61x80xi32, #tpu.memory_space<hbm>> -> memref<61x80xi32, #tpu.memory_space<hbm>>
      tpu.wait_dma2 semaphore(%run_scoped3A : memref<!tpu.dma_semaphore, #tpu.memory_space<semaphore_mem>>) src(%dma_wait3A_116 : memref<61x80xi32, #tpu.memory_space<hbm>>) dst(%dma_wait3A_112 : memref<61x80xi32, #tpu.memory_space<vmem>>)
      tpu.yield
    }) : () -> ()
    %dma_start3A_45 = arith.constant 0 : i32
    %dma_start3A_46 = arith.constant 0 : i32
    %dma_start3A_47 = tpu.memref_slice %arg7[%dma_start3A_45, %dma_start3A_46] : memref<64x80xi32, #tpu.memory_space<vmem>> -> memref<1x80xi32, #tpu.memory_space<vmem>>
    %dma_start3A_48 = tpu.memref_squeeze %dma_start3A_47 : memref<1x80xi32, #tpu.memory_space<vmem>> -> memref<80xi32, #tpu.memory_space<vmem>>
    %dma_start3A_49 = arith.constant 0 : i32
    %dma_start3A_50 = arith.constant 0 : i32
    %dma_start3A_51 = tpu.memref_slice %arg2[%dma_start3A_49, %dma_start3A_50] : memref<10000x128xf32, #tpu.memory_space<hbm>> -> memref<10000x128xf32, #tpu.memory_space<hbm>>
    tpu.enqueue_indirect_dma source(%dma_start3A_51 : memref<10000x128xf32, #tpu.memory_space<hbm>>) target(%arg9 : memref<80x128xf32, #tpu.memory_space<vmem>>) offsets(%dma_start3A_48 : memref<80xi32, #tpu.memory_space<vmem>>) semaphore(%arg13 : memref<!tpu.dma_semaphore, #tpu.memory_space<semaphore_mem>>)
    %dma_start3A_52 = arith.constant 1 : i32
    %dma_start3A_53 = arith.constant 0 : i32
    %dma_start3A_54 = tpu.memref_slice %arg7[%dma_start3A_52, %dma_start3A_53] : memref<64x80xi32, #tpu.memory_space<vmem>> -> memref<1x80xi32, #tpu.memory_space<vmem>>
    %dma_start3A_55 = tpu.memref_squeeze %dma_start3A_54 : memref<1x80xi32, #tpu.memory_space<vmem>> -> memref<80xi32, #tpu.memory_space<vmem>>
    %dma_start3A_56 = arith.constant 0 : i32
    %dma_start3A_57 = arith.constant 0 : i32
    %dma_start3A_58 = tpu.memref_slice %arg2[%dma_start3A_56, %dma_start3A_57] : memref<10000x128xf32, #tpu.memory_space<hbm>> -> memref<10000x128xf32, #tpu.memory_space<hbm>>
    tpu.enqueue_indirect_dma source(%dma_start3A_58 : memref<10000x128xf32, #tpu.memory_space<hbm>>) target(%arg10 : memref<80x128xf32, #tpu.memory_space<vmem>>) offsets(%dma_start3A_55 : memref<80xi32, #tpu.memory_space<vmem>>) semaphore(%arg14 : memref<!tpu.dma_semaphore, #tpu.memory_space<semaphore_mem>>)
    %scan3A_59 = arith.constant 0 : i32
    %scan3A_60 = arith.constant 0 : i32
    %scan3A_61 = arith.constant 20 : i32
    %scan3A_62 = arith.addi %scan3A_60, %scan3A_61 : i32
    %scan3A_63 = arith.constant 1 : i32
    scf.for %scan3A_89 = %scan3A_60 to %scan3A_62 step %scan3A_63  : i32 {
      %mul3A_90 = arith.constant 3 : i32
      %mul3A_91 = arith.muli %mul3A_90, %scan3A_89 : i32
      %add3A_92 = arith.constant 1 : i32
      %add3A_93 = arith.addi %mul3A_91, %add3A_92 : i32
      %add3A_94 = arith.constant 2 : i32
      %add3A_95 = arith.addi %mul3A_91, %add3A_94 : i32
      %dma_wait3A_96 = arith.constant 0 : i32
      %dma_wait3A_97 = tpu.memref_slice %arg7[%mul3A_91, %dma_wait3A_96] : memref<64x80xi32, #tpu.memory_space<vmem>> -> memref<1x80xi32, #tpu.memory_space<vmem>>
      %dma_wait3A_98 = tpu.memref_squeeze %dma_wait3A_97 : memref<1x80xi32, #tpu.memory_space<vmem>> -> memref<80xi32, #tpu.memory_space<vmem>>
      %dma_wait3A_99 = arith.constant 0 : i32
      %dma_wait3A_100 = arith.constant 0 : i32
      %dma_wait3A_101 = tpu.memref_slice %arg2[%dma_wait3A_99, %dma_wait3A_100] : memref<10000x128xf32, #tpu.memory_space<hbm>> -> memref<10000x128xf32, #tpu.memory_space<hbm>>
      tpu.wait_indirect_dma semaphore(%arg13 : memref<!tpu.dma_semaphore, #tpu.memory_space<semaphore_mem>>) src(%dma_wait3A_101 : memref<10000x128xf32, #tpu.memory_space<hbm>>) dst(%arg9 : memref<80x128xf32, #tpu.memory_space<vmem>>)
      %dma_start3A_102 = arith.constant 0 : i32
      %dma_start3A_103 = tpu.memref_slice %arg7[%add3A_95, %dma_start3A_102] : memref<64x80xi32, #tpu.memory_space<vmem>> -> memref<1x80xi32, #tpu.memory_space<vmem>>
      %dma_start3A_104 = tpu.memref_squeeze %dma_start3A_103 : memref<1x80xi32, #tpu.memory_space<vmem>> -> memref<80xi32, #tpu.memory_space<vmem>>
      %dma_start3A_105 = arith.constant 0 : i32
      %dma_start3A_106 = arith.constant 0 : i32
      %dma_start3A_107 = tpu.memref_slice %arg2[%dma_start3A_105, %dma_start3A_106] : memref<10000x128xf32, #tpu.memory_space<hbm>> -> memref<10000x128xf32, #tpu.memory_space<hbm>>
      tpu.enqueue_indirect_dma source(%dma_start3A_107 : memref<10000x128xf32, #tpu.memory_space<hbm>>) target(%arg11 : memref<80x128xf32, #tpu.memory_space<vmem>>) offsets(%dma_start3A_104 : memref<80xi32, #tpu.memory_space<vmem>>) semaphore(%arg15 : memref<!tpu.dma_semaphore, #tpu.memory_space<semaphore_mem>>)
      %dma_start3A_108 = arith.constant 0 : i32
      %dma_start3A_109 = tpu.memref_slice %arg8[%mul3A_91, %dma_start3A_108] : memref<64x80xi32, #tpu.memory_space<vmem>> -> memref<1x80xi32, #tpu.memory_space<vmem>>
      %dma_start3A_110 = tpu.memref_squeeze %dma_start3A_109 : memref<1x80xi32, #tpu.memory_space<vmem>> -> memref<80xi32, #tpu.memory_space<vmem>>
      %dma_start3A_111 = arith.constant 0 : i32
      %dma_start3A_112 = arith.constant 0 : i32
      %dma_start3A_113 = tpu.memref_slice %arg12[%dma_start3A_111, %dma_start3A_112] : memref<10112x128xf32, #tpu.memory_space<vmem_shared>> -> memref<10112x128xf32, #tpu.memory_space<vmem_shared>>
      tpu.enqueue_indirect_dma source(%arg9 : memref<80x128xf32, #tpu.memory_space<vmem>>) target(%dma_start3A_113 : memref<10112x128xf32, #tpu.memory_space<vmem_shared>>) offsets(%dma_start3A_110 : memref<80xi32, #tpu.memory_space<vmem>>) semaphore(%arg16 : memref<!tpu.dma_semaphore, #tpu.memory_space<semaphore_mem>>) {add = true}
      %dma_wait3A_114 = arith.constant 0 : i32
      %dma_wait3A_115 = tpu.memref_slice %arg7[%add3A_93, %dma_wait3A_114] : memref<64x80xi32, #tpu.memory_space<vmem>> -> memref<1x80xi32, #tpu.memory_space<vmem>>
      %dma_wait3A_116 = tpu.memref_squeeze %dma_wait3A_115 : memref<1x80xi32, #tpu.memory_space<vmem>> -> memref<80xi32, #tpu.memory_space<vmem>>
      %dma_wait3A_117 = arith.constant 0 : i32
      %dma_wait3A_118 = arith.constant 0 : i32
      %dma_wait3A_119 = tpu.memref_slice %arg2[%dma_wait3A_117, %dma_wait3A_118] : memref<10000x128xf32, #tpu.memory_space<hbm>> -> memref<10000x128xf32, #tpu.memory_space<hbm>>
      tpu.wait_indirect_dma semaphore(%arg14 : memref<!tpu.dma_semaphore, #tpu.memory_space<semaphore_mem>>) src(%dma_wait3A_119 : memref<10000x128xf32, #tpu.memory_space<hbm>>) dst(%arg10 : memref<80x128xf32, #tpu.memory_space<vmem>>)
      %dma_wait3A_120 = arith.constant 0 : i32
      %dma_wait3A_121 = tpu.memref_slice %arg8[%mul3A_91, %dma_wait3A_120] : memref<64x80xi32, #tpu.memory_space<vmem>> -> memref<1x80xi32, #tpu.memory_space<vmem>>
      %dma_wait3A_122 = tpu.memref_squeeze %dma_wait3A_121 : memref<1x80xi32, #tpu.memory_space<vmem>> -> memref<80xi32, #tpu.memory_space<vmem>>
      %dma_wait3A_123 = arith.constant 0 : i32
      %dma_wait3A_124 = arith.constant 0 : i32
      %dma_wait3A_125 = tpu.memref_slice %arg12[%dma_wait3A_123, %dma_wait3A_124] : memref<10112x128xf32, #tpu.memory_space<vmem_shared>> -> memref<10112x128xf32, #tpu.memory_space<vmem_shared>>
      tpu.wait_indirect_dma semaphore(%arg16 : memref<!tpu.dma_semaphore, #tpu.memory_space<semaphore_mem>>) src(%arg9 : memref<80x128xf32, #tpu.memory_space<vmem>>) dst(%dma_wait3A_125 : memref<10112x128xf32, #tpu.memory_space<vmem_shared>>)
      %add3A_126 = arith.constant 3 : i32
      %add3A_127 = arith.addi %mul3A_91, %add3A_126 : i32
      %dma_start3A_128 = arith.constant 0 : i32
      %dma_start3A_129 = tpu.memref_slice %arg7[%add3A_127, %dma_start3A_128] : memref<64x80xi32, #tpu.memory_space<vmem>> -> memref<1x80xi32, #tpu.memory_space<vmem>>
      %dma_start3A_130 = tpu.memref_squeeze %dma_start3A_129 : memref<1x80xi32, #tpu.memory_space<vmem>> -> memref<80xi32, #tpu.memory_space<vmem>>
      %dma_start3A_131 = arith.constant 0 : i32
      %dma_start3A_132 = arith.constant 0 : i32
      %dma_start3A_133 = tpu.memref_slice %arg2[%dma_start3A_131, %dma_start3A_132] : memref<10000x128xf32, #tpu.memory_space<hbm>> -> memref<10000x128xf32, #tpu.memory_space<hbm>>
      tpu.enqueue_indirect_dma source(%dma_start3A_133 : memref<10000x128xf32, #tpu.memory_space<hbm>>) target(%arg9 : memref<80x128xf32, #tpu.memory_space<vmem>>) offsets(%dma_start3A_130 : memref<80xi32, #tpu.memory_space<vmem>>) semaphore(%arg13 : memref<!tpu.dma_semaphore, #tpu.memory_space<semaphore_mem>>)
      %dma_start3A_134 = arith.constant 0 : i32
      %dma_start3A_135 = tpu.memref_slice %arg8[%add3A_93, %dma_start3A_134] : memref<64x80xi32, #tpu.memory_space<vmem>> -> memref<1x80xi32, #tpu.memory_space<vmem>>
      %dma_start3A_136 = tpu.memref_squeeze %dma_start3A_135 : memref<1x80xi32, #tpu.memory_space<vmem>> -> memref<80xi32, #tpu.memory_space<vmem>>
      %dma_start3A_137 = arith.constant 0 : i32
      %dma_start3A_138 = arith.constant 0 : i32
      %dma_start3A_139 = tpu.memref_slice %arg12[%dma_start3A_137, %dma_start3A_138] : memref<10112x128xf32, #tpu.memory_space<vmem_shared>> -> memref<10112x128xf32, #tpu.memory_space<vmem_shared>>
      tpu.enqueue_indirect_dma source(%arg10 : memref<80x128xf32, #tpu.memory_space<vmem>>) target(%dma_start3A_139 : memref<10112x128xf32, #tpu.memory_space<vmem_shared>>) offsets(%dma_start3A_136 : memref<80xi32, #tpu.memory_space<vmem>>) semaphore(%arg17 : memref<!tpu.dma_semaphore, #tpu.memory_space<semaphore_mem>>) {add = true}
      %dma_wait3A_140 = arith.constant 0 : i32
      %dma_wait3A_141 = tpu.memref_slice %arg7[%add3A_95, %dma_wait3A_140] : memref<64x80xi32, #tpu.memory_space<vmem>> -> memref<1x80xi32, #tpu.memory_space<vmem>>
      %dma_wait3A_142 = tpu.memref_squeeze %dma_wait3A_141 : memref<1x80xi32, #tpu.memory_space<vmem>> -> memref<80xi32, #tpu.memory_space<vmem>>
      %dma_wait3A_143 = arith.constant 0 : i32
      %dma_wait3A_144 = arith.constant 0 : i32
      %dma_wait3A_145 = tpu.memref_slice %arg2[%dma_wait3A_143, %dma_wait3A_144] : memref<10000x128xf32, #tpu.memory_space<hbm>> -> memref<10000x128xf32, #tpu.memory_space<hbm>>
      tpu.wait_indirect_dma semaphore(%arg15 : memref<!tpu.dma_semaphore, #tpu.memory_space<semaphore_mem>>) src(%dma_wait3A_145 : memref<10000x128xf32, #tpu.memory_space<hbm>>) dst(%arg11 : memref<80x128xf32, #tpu.memory_space<vmem>>)
      %dma_wait3A_146 = arith.constant 0 : i32
      %dma_wait3A_147 = tpu.memref_slice %arg8[%add3A_93, %dma_wait3A_146] : memref<64x80xi32, #tpu.memory_space<vmem>> -> memref<1x80xi32, #tpu.memory_space<vmem>>
      %dma_wait3A_148 = tpu.memref_squeeze %dma_wait3A_147 : memref<1x80xi32, #tpu.memory_space<vmem>> -> memref<80xi32, #tpu.memory_space<vmem>>
      %dma_wait3A_149 = arith.constant 0 : i32
      %dma_wait3A_150 = arith.constant 0 : i32
      %dma_wait3A_151 = tpu.memref_slice %arg12[%dma_wait3A_149, %dma_wait3A_150] : memref<10112x128xf32, #tpu.memory_space<vmem_shared>> -> memref<10112x128xf32, #tpu.memory_space<vmem_shared>>
      tpu.wait_indirect_dma semaphore(%arg17 : memref<!tpu.dma_semaphore, #tpu.memory_space<semaphore_mem>>) src(%arg10 : memref<80x128xf32, #tpu.memory_space<vmem>>) dst(%dma_wait3A_151 : memref<10112x128xf32, #tpu.memory_space<vmem_shared>>)
      %lt3A = arith.constant 19 : i32
      %lt3A_152 = arith.cmpi slt, %scan3A_89, %lt3A : i32
      %convert_element_type3A = arith.extui %lt3A_152 : i1 to i32
      %cond3A = arith.constant 0 : i32
      %cond3A_153 = arith.cmpi ne, %convert_element_type3A, %cond3A : i32
      scf.if %cond3A_153 {
        %add3A_166 = arith.constant 4 : i32
        %add3A_167 = arith.addi %mul3A_91, %add3A_166 : i32
        %dma_start3A_168 = arith.constant 0 : i32
        %dma_start3A_169 = tpu.memref_slice %arg7[%add3A_167, %dma_start3A_168] : memref<64x80xi32, #tpu.memory_space<vmem>> -> memref<1x80xi32, #tpu.memory_space<vmem>>
        %dma_start3A_170 = tpu.memref_squeeze %dma_start3A_169 : memref<1x80xi32, #tpu.memory_space<vmem>> -> memref<80xi32, #tpu.memory_space<vmem>>
        %dma_start3A_171 = arith.constant 0 : i32
        %dma_start3A_172 = arith.constant 0 : i32
        %dma_start3A_173 = tpu.memref_slice %arg2[%dma_start3A_171, %dma_start3A_172] : memref<10000x128xf32, #tpu.memory_space<hbm>> -> memref<10000x128xf32, #tpu.memory_space<hbm>>
        tpu.enqueue_indirect_dma source(%dma_start3A_173 : memref<10000x128xf32, #tpu.memory_space<hbm>>) target(%arg10 : memref<80x128xf32, #tpu.memory_space<vmem>>) offsets(%dma_start3A_170 : memref<80xi32, #tpu.memory_space<vmem>>) semaphore(%arg14 : memref<!tpu.dma_semaphore, #tpu.memory_space<semaphore_mem>>)
      } else {
      }
      %dma_start3A_154 = arith.constant 0 : i32
      %dma_start3A_155 = tpu.memref_slice %arg8[%add3A_95, %dma_start3A_154] : memref<64x80xi32, #tpu.memory_space<vmem>> -> memref<1x80xi32, #tpu.memory_space<vmem>>
      %dma_start3A_156 = tpu.memref_squeeze %dma_start3A_155 : memref<1x80xi32, #tpu.memory_space<vmem>> -> memref<80xi32, #tpu.memory_space<vmem>>
      %dma_start3A_157 = arith.constant 0 : i32
      %dma_start3A_158 = arith.constant 0 : i32
      %dma_start3A_159 = tpu.memref_slice %arg12[%dma_start3A_157, %dma_start3A_158] : memref<10112x128xf32, #tpu.memory_space<vmem_shared>> -> memref<10112x128xf32, #tpu.memory_space<vmem_shared>>
      tpu.enqueue_indirect_dma source(%arg11 : memref<80x128xf32, #tpu.memory_space<vmem>>) target(%dma_start3A_159 : memref<10112x128xf32, #tpu.memory_space<vmem_shared>>) offsets(%dma_start3A_156 : memref<80xi32, #tpu.memory_space<vmem>>) semaphore(%arg18 : memref<!tpu.dma_semaphore, #tpu.memory_space<semaphore_mem>>) {add = true}
      %dma_wait3A_160 = arith.constant 0 : i32
      %dma_wait3A_161 = tpu.memref_slice %arg8[%add3A_95, %dma_wait3A_160] : memref<64x80xi32, #tpu.memory_space<vmem>> -> memref<1x80xi32, #tpu.memory_space<vmem>>
      %dma_wait3A_162 = tpu.memref_squeeze %dma_wait3A_161 : memref<1x80xi32, #tpu.memory_space<vmem>> -> memref<80xi32, #tpu.memory_space<vmem>>
      %dma_wait3A_163 = arith.constant 0 : i32
      %dma_wait3A_164 = arith.constant 0 : i32
      %dma_wait3A_165 = tpu.memref_slice %arg12[%dma_wait3A_163, %dma_wait3A_164] : memref<10112x128xf32, #tpu.memory_space<vmem_shared>> -> memref<10112x128xf32, #tpu.memory_space<vmem_shared>>
      tpu.wait_indirect_dma semaphore(%arg18 : memref<!tpu.dma_semaphore, #tpu.memory_space<semaphore_mem>>) src(%arg11 : memref<80x128xf32, #tpu.memory_space<vmem>>) dst(%dma_wait3A_165 : memref<10112x128xf32, #tpu.memory_space<vmem_shared>>)
    }
    %scan3A_64 = arith.constant 20 : i32
    %dma_wait3A_65 = arith.constant 60 : i32
    %dma_wait3A_66 = arith.constant 0 : i32
    %dma_wait3A_67 = tpu.memref_slice %arg7[%dma_wait3A_65, %dma_wait3A_66] : memref<64x80xi32, #tpu.memory_space<vmem>> -> memref<1x80xi32, #tpu.memory_space<vmem>>
    %dma_wait3A_68 = tpu.memref_squeeze %dma_wait3A_67 : memref<1x80xi32, #tpu.memory_space<vmem>> -> memref<80xi32, #tpu.memory_space<vmem>>
    %dma_wait3A_69 = arith.constant 0 : i32
    %dma_wait3A_70 = arith.constant 0 : i32
    %dma_wait3A_71 = tpu.memref_slice %arg2[%dma_wait3A_69, %dma_wait3A_70] : memref<10000x128xf32, #tpu.memory_space<hbm>> -> memref<10000x128xf32, #tpu.memory_space<hbm>>
    tpu.wait_indirect_dma semaphore(%arg13 : memref<!tpu.dma_semaphore, #tpu.memory_space<semaphore_mem>>) src(%dma_wait3A_71 : memref<10000x128xf32, #tpu.memory_space<hbm>>) dst(%arg9 : memref<80x128xf32, #tpu.memory_space<vmem>>)
    %dma_start3A_72 = arith.constant 60 : i32
    %dma_start3A_73 = arith.constant 0 : i32
    %dma_start3A_74 = tpu.memref_slice %arg8[%dma_start3A_72, %dma_start3A_73] : memref<64x80xi32, #tpu.memory_space<vmem>> -> memref<1x80xi32, #tpu.memory_space<vmem>>
    %dma_start3A_75 = tpu.memref_squeeze %dma_start3A_74 : memref<1x80xi32, #tpu.memory_space<vmem>> -> memref<80xi32, #tpu.memory_space<vmem>>
    %dma_start3A_76 = arith.constant 0 : i32
    %dma_start3A_77 = arith.constant 0 : i32
    %dma_start3A_78 = tpu.memref_slice %arg12[%dma_start3A_76, %dma_start3A_77] : memref<10112x128xf32, #tpu.memory_space<vmem_shared>> -> memref<10112x128xf32, #tpu.memory_space<vmem_shared>>
    tpu.enqueue_indirect_dma source(%arg9 : memref<80x128xf32, #tpu.memory_space<vmem>>) target(%dma_start3A_78 : memref<10112x128xf32, #tpu.memory_space<vmem_shared>>) offsets(%dma_start3A_75 : memref<80xi32, #tpu.memory_space<vmem>>) semaphore(%arg16 : memref<!tpu.dma_semaphore, #tpu.memory_space<semaphore_mem>>) {add = true}
    %dma_wait3A_79 = arith.constant 60 : i32
    %dma_wait3A_80 = arith.constant 0 : i32
    %dma_wait3A_81 = tpu.memref_slice %arg8[%dma_wait3A_79, %dma_wait3A_80] : memref<64x80xi32, #tpu.memory_space<vmem>> -> memref<1x80xi32, #tpu.memory_space<vmem>>
    %dma_wait3A_82 = tpu.memref_squeeze %dma_wait3A_81 : memref<1x80xi32, #tpu.memory_space<vmem>> -> memref<80xi32, #tpu.memory_space<vmem>>
    %dma_wait3A_83 = arith.constant 0 : i32
    %dma_wait3A_84 = arith.constant 0 : i32
    %dma_wait3A_85 = tpu.memref_slice %arg12[%dma_wait3A_83, %dma_wait3A_84] : memref<10112x128xf32, #tpu.memory_space<vmem_shared>> -> memref<10112x128xf32, #tpu.memory_space<vmem_shared>>
    tpu.wait_indirect_dma semaphore(%arg16 : memref<!tpu.dma_semaphore, #tpu.memory_space<semaphore_mem>>) src(%arg9 : memref<80x128xf32, #tpu.memory_space<vmem>>) dst(%dma_wait3A_85 : memref<10112x128xf32, #tpu.memory_space<vmem_shared>>)
    %barrier3A_86 = arith.constant 0 : index
    tpu.barrier barrier_id(%barrier3A_86)
    %mul3A_87 = arith.constant 632 : i32
    %mul3A_88 = arith.muli %arg1, %mul3A_87 : i32
    "tpu.region"() ({
      %run_scoped3A = tpu.sem_alloc : memref<!tpu.dma_semaphore, #tpu.memory_space<semaphore_mem>>
      %dma_start3A_89 = arith.constant 0 : i32
      %dma_start3A_90 = tpu.memref_slice %arg6[%arg0, %mul3A_88, %dma_start3A_89] : memref<2x10112x128xf32, #tpu.memory_space<hbm>> -> memref<1x632x128xf32, #tpu.memory_space<hbm>>
      %dma_start3A_91 = tpu.memref_squeeze %dma_start3A_90 : memref<1x632x128xf32, #tpu.memory_space<hbm>> -> memref<632x128xf32, #tpu.memory_space<hbm>>
      %dma_start3A_92 = arith.constant 0 : i32
      %dma_start3A_93 = tpu.memref_slice %arg12[%mul3A_88, %dma_start3A_92] : memref<10112x128xf32, #tpu.memory_space<vmem_shared>> -> memref<632x128xf32, #tpu.memory_space<vmem_shared>>
      tpu.enqueue_dma source(%dma_start3A_93 : memref<632x128xf32, #tpu.memory_space<vmem_shared>>) target(%dma_start3A_91 : memref<632x128xf32, #tpu.memory_space<hbm>>) target_semaphore(%run_scoped3A : memref<!tpu.dma_semaphore, #tpu.memory_space<semaphore_mem>>)
      %dma_wait3A_94 = arith.constant 0 : i32
      %dma_wait3A_95 = tpu.memref_slice %arg6[%arg0, %mul3A_88, %dma_wait3A_94] : memref<2x10112x128xf32, #tpu.memory_space<hbm>> -> memref<1x632x128xf32, #tpu.memory_space<hbm>>
      %dma_wait3A_96 = tpu.memref_squeeze %dma_wait3A_95 : memref<1x632x128xf32, #tpu.memory_space<hbm>> -> memref<632x128xf32, #tpu.memory_space<hbm>>
      %dma_wait3A_97 = arith.constant 0 : i32
      %dma_wait3A_98 = tpu.memref_slice %arg12[%mul3A_88, %dma_wait3A_97] : memref<10112x128xf32, #tpu.memory_space<vmem_shared>> -> memref<632x128xf32, #tpu.memory_space<vmem_shared>>
      tpu.wait_dma2 semaphore(%run_scoped3A : memref<!tpu.dma_semaphore, #tpu.memory_space<semaphore_mem>>) src(%dma_wait3A_98 : memref<632x128xf32, #tpu.memory_space<vmem_shared>>) dst(%dma_wait3A_96 : memref<632x128xf32, #tpu.memory_space<hbm>>)
      tpu.yield
    }) : () -> ()
    return
  }
}

module attributes {stable_mosaic.version = 14 : i64} {
  func.func @_tc_finish_kernel(%arg0: i32, %arg1: memref<2x2000x128xf32, #tpu.memory_space<vmem>>, %arg2: memref<2000x128xf32, #tpu.memory_space<vmem>>, %arg3: memref<128x128xf32, #tpu.memory_space<vmem>>, %arg4: memref<1x128xf32, #tpu.memory_space<vmem>>, %arg5: memref<1x128xf32, #tpu.memory_space<vmem>>, %arg6: memref<1x128xf32, #tpu.memory_space<vmem>>, %arg7: memref<2000x128xf32, #tpu.memory_space<vmem>>) attributes {dimension_semantics = [#tpu.dimension_semantics<arbitrary>], iteration_bounds = array<i64: 5>, scalar_prefetch = 0 : i64, scratch_operands = 0 : i64, tpu.core_type = #tpu.core_type<tc>, window_params = [{transform_indices = @transform_0, window_bounds = array<i64: 2, 2000, 128>}, {transform_indices = @transform_1, window_bounds = array<i64: 2000, 128>}, {pipeline_mode = #tpu.pipeline_mode<synchronous>, transform_indices = @transform_2, window_bounds = array<i64: 128, 128>}, {pipeline_mode = #tpu.pipeline_mode<synchronous>, transform_indices = @transform_3, window_bounds = array<i64: 1, 128>}, {pipeline_mode = #tpu.pipeline_mode<synchronous>, transform_indices = @transform_4, window_bounds = array<i64: 1, 128>}, {pipeline_mode = #tpu.pipeline_mode<synchronous>, transform_indices = @transform_5, window_bounds = array<i64: 1, 128>}, {transform_indices = @transform_6, window_bounds = array<i64: 2000, 128>}]} {
    %get3A = arith.constant 0 : index
    %get3A_0 = arith.constant 0 : index
    %get3A_1 = arith.constant 0 : index
    %get3A_2 = vector.load %arg1[%get3A, %get3A_0, %get3A_1] : memref<2x2000x128xf32, #tpu.memory_space<vmem>>, vector<1x2000x128xf32>
    %get3A_3 = vector.shape_cast %get3A_2 : vector<1x2000x128xf32> to vector<2000x128xf32>
    %get3A_4 = arith.constant 1 : index
    %get3A_5 = arith.constant 0 : index
    %get3A_6 = arith.constant 0 : index
    %get3A_7 = vector.load %arg1[%get3A_4, %get3A_5, %get3A_6] : memref<2x2000x128xf32, #tpu.memory_space<vmem>>, vector<1x2000x128xf32>
    %get3A_8 = vector.shape_cast %get3A_7 : vector<1x2000x128xf32> to vector<2000x128xf32>
    %add3A = arith.addf %get3A_3, %get3A_8 : vector<2000x128xf32>
    %get3A_9 = arith.constant 0 : index
    %get3A_10 = arith.constant 0 : index
    %get3A_11 = vector.load %arg2[%get3A_9, %get3A_10] : memref<2000x128xf32, #tpu.memory_space<vmem>>, vector<2000x128xf32>
    %add3A_12 = arith.addf %add3A, %get3A_11 : vector<2000x128xf32>
    %get3A_13 = arith.constant 0 : index
    %get3A_14 = arith.constant 0 : index
    %get3A_15 = vector.load %arg3[%get3A_13, %get3A_14] : memref<128x128xf32, #tpu.memory_space<vmem>>, vector<128x128xf32>
    %dot_general3A = arith.constant dense<0.000000e+00> : vector<2000x128xf32>
    %dot_general3A_16 = tpu.matmul %add3A_12, %get3A_15, %dot_general3A {dimension_numbers = #tpu.dot_dimension_numbers<[1], [1], [0], [0], [0, 0, 1, 0], [], []>, transpose_lhs_hint = false} : vector<2000x128xf32>, vector<128x128xf32>, vector<2000x128xf32> -> vector<2000x128xf32>
    %get3A_17 = arith.constant 0 : index
    %get3A_18 = arith.constant 0 : index
    %get3A_19 = vector.load %arg4[%get3A_17, %get3A_18] : memref<1x128xf32, #tpu.memory_space<vmem>>, vector<1x128xf32>
    %add3A_20 = vector.broadcast %get3A_19 : vector<1x128xf32> to vector<2000x128xf32>
    %add3A_21 = arith.addf %dot_general3A_16, %add3A_20 : vector<2000x128xf32>
    %reduce_sum3A = arith.constant dense<0.000000e+00> : vector<2000xf32>
    %reduce_sum3A_22 = vector.multi_reduction <add>, %add3A_21, %reduce_sum3A [1] : vector<2000x128xf32> to vector<2000xf32>
    %broadcast_in_dim3A = vector.shape_cast %reduce_sum3A_22 : vector<2000xf32> to vector<2000x1xf32>
    %div3A = arith.constant 1.280000e+02 : f32
    %div3A_23 = vector.broadcast %div3A : f32 to vector<2000x1xf32>
    %div3A_24 = arith.divf %broadcast_in_dim3A, %div3A_23 : vector<2000x1xf32>
    %sub3A = vector.broadcast %div3A_24 : vector<2000x1xf32> to vector<2000x128xf32>
    %sub3A_25 = arith.subf %add3A_21, %sub3A : vector<2000x128xf32>
    %mul3A = arith.mulf %sub3A_25, %sub3A_25 : vector<2000x128xf32>
    %reduce_sum3A_26 = arith.constant dense<0.000000e+00> : vector<2000xf32>
    %reduce_sum3A_27 = vector.multi_reduction <add>, %mul3A, %reduce_sum3A_26 [1] : vector<2000x128xf32> to vector<2000xf32>
    %broadcast_in_dim3A_28 = vector.shape_cast %reduce_sum3A_27 : vector<2000xf32> to vector<2000x1xf32>
    %div3A_29 = arith.constant 1.280000e+02 : f32
    %div3A_30 = vector.broadcast %div3A_29 : f32 to vector<2000x1xf32>
    %div3A_31 = arith.divf %broadcast_in_dim3A_28, %div3A_30 : vector<2000x1xf32>
    %add3A_32 = arith.constant 9.99999974E-6 : f32
    %add3A_33 = vector.broadcast %add3A_32 : f32 to vector<2000x1xf32>
    %add3A_34 = arith.addf %div3A_31, %add3A_33 : vector<2000x1xf32>
    %rsqrt3A = math.rsqrt %add3A_34 : vector<2000x1xf32>
    %mul3A_35 = vector.broadcast %rsqrt3A : vector<2000x1xf32> to vector<2000x128xf32>
    %mul3A_36 = arith.mulf %sub3A_25, %mul3A_35 : vector<2000x128xf32>
    %get3A_37 = arith.constant 0 : index
    %get3A_38 = arith.constant 0 : index
    %get3A_39 = vector.load %arg5[%get3A_37, %get3A_38] : memref<1x128xf32, #tpu.memory_space<vmem>>, vector<1x128xf32>
    %mul3A_40 = vector.broadcast %get3A_39 : vector<1x128xf32> to vector<2000x128xf32>
    %mul3A_41 = arith.mulf %mul3A_36, %mul3A_40 : vector<2000x128xf32>
    %get3A_42 = arith.constant 0 : index
    %get3A_43 = arith.constant 0 : index
    %get3A_44 = vector.load %arg6[%get3A_42, %get3A_43] : memref<1x128xf32, #tpu.memory_space<vmem>>, vector<1x128xf32>
    %add3A_45 = vector.broadcast %get3A_44 : vector<1x128xf32> to vector<2000x128xf32>
    %add3A_46 = arith.addf %mul3A_41, %add3A_45 : vector<2000x128xf32>
    %max3A = arith.constant 0.000000e+00 : f32
    %max3A_47 = vector.broadcast %max3A : f32 to vector<2000x128xf32>
    %max3A_48 = arith.maximumf %add3A_46, %max3A_47 : vector<2000x128xf32>
    %swap3A = arith.constant 0 : index
    %swap3A_49 = arith.constant 0 : index
    %swap3A_50 = vector.load %arg7[%swap3A, %swap3A_49] : memref<2000x128xf32, #tpu.memory_space<vmem>>, vector<2000x128xf32>
    tpu.vector_store %arg7[%swap3A, %swap3A_49], %max3A_48 {strides = array<i32>} : memref<2000x128xf32, #tpu.memory_space<vmem>>, vector<2000x128xf32>,
    return
  }
  func.func @transform_0(%arg0: i32) -> (i32, i32, i32) {
    %c0_i32 = arith.constant 0 : i32
    %c0_i32_0 = arith.constant 0 : i32
    %c0_i32_1 = arith.constant 0 : i32
    return %c0_i32, %arg0, %c0_i32_0 : i32, i32, i32
  }
  func.func @transform_1(%arg0: i32) -> (i32, i32) {
    %c0_i32 = arith.constant 0 : i32
    %c0_i32_0 = arith.constant 0 : i32
    return %arg0, %c0_i32 : i32, i32
  }
  func.func @transform_2(%arg0: i32) -> (i32, i32) {
    %c0_i32 = arith.constant 0 : i32
    %c0_i32_0 = arith.constant 0 : i32
    %c0_i32_1 = arith.constant 0 : i32
    return %c0_i32, %c0_i32_0 : i32, i32
  }
  func.func @transform_3(%arg0: i32) -> (i32, i32) {
    %c0_i32 = arith.constant 0 : i32
    %c0_i32_0 = arith.constant 0 : i32
    %c0_i32_1 = arith.constant 0 : i32
    return %c0_i32, %c0_i32_0 : i32, i32
  }
  func.func @transform_4(%arg0: i32) -> (i32, i32) {
    %c0_i32 = arith.constant 0 : i32
    %c0_i32_0 = arith.constant 0 : i32
    %c0_i32_1 = arith.constant 0 : i32
    return %c0_i32, %c0_i32_0 : i32, i32
  }
  func.func @transform_5(%arg0: i32) -> (i32, i32) {
    %c0_i32 = arith.constant 0 : i32
    %c0_i32_0 = arith.constant 0 : i32
    %c0_i32_1 = arith.constant 0 : i32
    return %c0_i32, %c0_i32_0 : i32, i32
  }
  func.func @transform_6(%arg0: i32) -> (i32, i32) {
    %c0_i32 = arith.constant 0 : i32
    %c0_i32_0 = arith.constant 0 : i32
    return %arg0, %c0_i32 : i32, i32
  }
}

</mosaic_0001>

<sc_bundles>
// kernel: kernel.4.cloned.1.call-start
scs
__scs_entry_jumppad:
0x0: {  	(pc) =	sbr.rel $0x88, $3  }
0x1: {  	(tag) =	ssettag $0x0;
	lr =	simm.s32 $0x1  }
0x2: {  	[smem:$0x3F9B] =	sst lr;
	_ =	strace $0xD0000000  }
0x3: {  	_ = 	snop  }
0x4: {  	_ = 	snop  }
0x5: {  	_ = 	snop  }
0x6: {  	_ = 	snop  }
0x7: {  	_ = 	snop  }
__scs_overlays_trampoline_lowered:
0x8: {  	[smem:$0x3FAA] =	sst s0  }
0x9: {  	[smem:$0x3FAB] =	sst s1  }
0xa: {  	[smem:$0x3FAC] =	sst s2  }
0xb: {  	[smem:$0x3FAD] =	sst s3  }
0xc: {  	[smem:$0x3FAE] =	sst s4  }
0xd: {  	[smem:$0x3FAF] =	sst s5  }
0xe: {  	[smem:$0x3FB0] =	sst s6  }
0xf: {  	[smem:$0x3FB1] =	sst s7  }
0x10: {  	[smem:$0x3FB2] =	sst s8  }
0x11: {  	[smem:$0x3FB3] =	sst s9;
	s0 =	simm.s32 @!p0 $0x0  }
0x12: {  	s1 =	sld [smem:$0x3F99];
	s0 =	simm.s32 @p0 $0x1  }
0x13: {  	[smem:$0x3FB4] =	sst s0;
	s0 =	simm.s32 @!p1 $0x0  }
0x14: {  	s2 =	sld [smem:$0x3F98];
	s0 =	simm.s32 @p1 $0x1  }
0x15: {  	[smem:$0x3FB5] =	sst s0;
	s0 =	simm.s32 @!p2 $0x0  }
0x16: {  	s3 =	sld [smem:$0x3FDB];
	s0 =	simm.s32 @p2 $0x1  }
0x17: {  	s4 =	simm.s32 $0x1BF5;
	[smem:$0x3FB7] =	sst s0  }
0x18: {  	s0 =	sld [smem:$0x3F9A];
	_ =	swait.ge [sflag:s4], $0x0  }
0x19: {  	s7 =	sld [smem:$0x3F9B]  }
0x1a: {  	s8 =	sadd.s32 $0xFFFFE003, lr  }
0x1b: {  	s9 =	sadd.s32 $0xFFFFFEF7, lr;
	s5 =	simm.s32 $0xFFFFFFFF;
	p2 =	slt.u32 s8, $0xFFFFF086  }
0x1c: {  	p1 =	slt.u32 s9, $0xF7A;
	s5 =	simm.s32 @!p2 $0x0  }
0x1d: {  	s5 =	simm.s32 @p1 $0x1;
	p0 =	seq.s32 s7, s2  }
0x1e: {  	s7 =	smul.u32 @!p0 $0xF7A, s2;
	p2 =	seq.s32 @!p0 s5, $0x0  }
0x1f: {  	s9 =	smul.u32 $0xF7A, s1;
	s8 =	simm.s32 @!p0 $0x1BF5;
	p2 =	por !p2, p0  }
0x20: {  	[sflag:s8] =	ssyncset.s32 @!p0 $0xFFFFF086;
	s6 =	sadd.s32 @!p0 s3, s7;
	s7 =	simm.s32 @!p0 $0x108  }
0x21: {  	s3 =	sadd.s32 s3, s9;
	s6 =	sadd.s32 @!p0 $0x88, s6;
	s7 =	simm.s32 @p2 $0x1082  }
0x22: {  	[simem:s7], [sflag:s8] =	dma.local @!p0 [hbm:s6], $0xF7A  }
0x23: {  	s9 =	sor.u32 $0xD0000000, s2;
	s6 =	simm.s32 $0x108;
	_ =	swait.ge @!p0 [sflag:s8], $0x0  }
0x24: {  	s3 =	sadd.s32 $0x88, s3;
	s6 =	simm.s32 @!p1 $0x1082;
	[sflag:s4] =	ssyncset.s32 $0xFFFFF086  }
0x25: {  	[simem:s6], [sflag:s4] =	dma.local [hbm:s3], $0xF7A  }
0x26: {  	[smem:$0x3F9B] =	sst s1;
	(tag) =	ssettag s2;
	_ =	strace s9  }
0x27: {  	s1 =	sld [smem:$0x3FAB]  }
0x28: {  	s2 =	sld [smem:$0x3FAC]  }
0x29: {  	s4 =	sld [smem:$0x3FAE]  }
0x2a: {  	p0 =	seq.s32 s5, $0x0;
	s5 =	sld [smem:$0x3FAF]  }
0x2b: {  	s6 =	sld [smem:$0x3FB0]  }
0x2c: {  	s7 =	sld [smem:$0x3FB1]  }
0x2d: {  	s3 =	simm.s32 $0x108;
	s8 =	sld [smem:$0x3FB2]  }
0x2e: {  	s3 =	simm.s32 @!p0 $0x1082;
	s9 =	sld [smem:$0x3FB3]  }
0x2f: {  	lr =	sadd.s32 s0, s3;
	s0 =	sld [smem:$0x3FAA]  }
0x30: {  	s3 =	sld [smem:$0x3FAD]  }
0x31: {  	[smem:$0x3FB6] =	sst s10  }
0x32: {  	s10 =	sld [smem:$0x3FB4];
	_ =	sdelay $0x3  }
0x33: {  	p0 =	seq.s32 s10, $0x1;
	s10 =	sld [smem:$0x3FB6];
	_ =	sdelay $0x3  }
0x34: {  	[smem:$0x3FB6] =	sst s10  }
0x35: {  	s10 =	sld [smem:$0x3FB5];
	_ =	sdelay $0x3  }
0x36: {  	p1 =	seq.s32 s10, $0x1;
	s10 =	sld [smem:$0x3FB6];
	_ =	sdelay $0x3  }
0x37: {  	[smem:$0x3FB6] =	sst s10  }
0x38: {  	s10 =	sld [smem:$0x3FB7]  }
0x39: {  	_ = 	snop;
	(pc) =	sbr.ind lr, $3  }
0x3a: {  	_ = 	snop  }
0x3b: {  	_ = 	snop  }
0x3c: {  	p2 =	seq.s32 s10, $0x1;
	s10 =	sld [smem:$0x3FB6]  }
0x3d: {  	_ =	shalt  }
0x3e: {  	_ =	shalt  }
0x3f: {  	_ =	shalt  }
0x40: {  	_ =	shalt  }
0x41: {  	_ =	shalt  }
0x42: {  	_ =	shalt  }
0x43: {  	_ =	shalt  }
0x44: {  	_ =	shalt  }
0x45: {  	_ =	shalt  }
0x46: {  	_ =	shalt  }
0x47: {  	_ =	shalt  }
0x48: {  	_ =	shalt  }
0x49: {  	_ =	shalt  }
0x4a: {  	_ =	shalt  }
0x4b: {  	_ =	shalt  }
0x4c: {  	_ =	shalt  }
0x4d: {  	_ =	shalt  }
0x4e: {  	_ =	shalt  }
0x4f: {  	_ =	shalt  }
0x50: {  	_ =	shalt  }
0x51: {  	_ =	shalt  }
0x52: {  	_ =	shalt  }
0x53: {  	_ =	shalt  }
0x54: {  	_ =	shalt  }
0x55: {  	_ =	shalt  }
0x56: {  	_ =	shalt  }
0x57: {  	_ =	shalt  }
0x58: {  	_ =	shalt  }
0x59: {  	_ =	shalt  }
0x5a: {  	_ =	shalt  }
0x5b: {  	_ =	shalt  }
0x5c: {  	_ =	shalt  }
0x5d: {  	_ =	shalt  }
0x5e: {  	_ =	shalt  }
0x5f: {  	_ =	shalt  }
0x60: {  	_ =	shalt  }
0x61: {  	_ =	shalt  }
0x62: {  	_ =	shalt  }
0x63: {  	_ =	shalt  }
0x64: {  	_ =	shalt  }
0x65: {  	_ =	shalt  }
0x66: {  	_ =	shalt  }
0x67: {  	_ =	shalt  }
0x68: {  	_ =	shalt  }
0x69: {  	_ =	shalt  }
0x6a: {  	_ =	shalt  }
0x6b: {  	_ =	shalt  }
0x6c: {  	_ =	shalt  }
0x6d: {  	_ =	shalt  }
0x6e: {  	_ =	shalt  }
0x6f: {  	_ =	shalt  }
0x70: {  	_ =	shalt  }
0x71: {  	_ =	shalt  }
0x72: {  	_ =	shalt  }
0x73: {  	_ =	shalt  }
0x74: {  	_ =	shalt  }
0x75: {  	_ =	shalt  }
0x76: {  	_ =	shalt  }
0x77: {  	_ =	shalt  }
0x78: {  	_ =	shalt  }
0x79: {  	_ =	shalt  }
0x7a: {  	_ =	shalt  }
0x7b: {  	_ =	shalt  }
0x7c: {  	_ =	shalt  }
0x7d: {  	_ =	shalt  }
0x7e: {  	_ =	shalt  }
0x7f: {  	_ =	shalt  }
0x80: {  	_ =	shalt  }
0x81: {  	_ =	shalt  }
0x82: {  	_ =	shalt  }
0x83: {  	_ =	shalt  }
0x84: {  	_ =	shalt  }
0x85: {  	_ =	shalt  }
0x86: {  	_ =	shalt  }
0x87: {  	_ =	shalt  }
.Lfunc_end0:
.L_simem_size_0:
called_computation_lowered:
.L_overlay_start_0:
0x88: {  	s2 =	sld [smem:$0x3FD9]  }
0x89: {  	s3 =	sld [smem:$0x3FFE];
	_ =	sdelay $0x1  }
0x8a: {  	s1 =	srdreg.scid  }
0x8b: {  	s0 =	sand.u32 $0x1, s1  }
0x8c: {  	s17 =	sshll.u32 s0, $0xA;
	s2 =	sadd.s32 s3, s2  }
0x8d: {  	s2 =	sadd.s32 s2, s17  }
0x8e: {  	[smem:$0x3FC2] =	sst s2  }
0x8f: {  	_ = 	snop  }
0x90: {  	s2 =	sld [smem:$0x3FC9]  }
0x91: {  	s18 =	sld [smem:$0x3FD0];
	(tm) =	ssettm $0x1  }
0x92: {  	s4 =	sld [smem:$0x3FFB];
	_ =	sdelay $0x3  }
0x93: {  	_ =	strace s4  }
0x94: {  	s4 =	sld [smem:$0x3FFC];
	_ =	sdelay $0x3  }
0x95: {  	_ =	strace s4  }
0x96: {  	s4 =	sld [smem:$0x3FFD];
	_ =	sdelay $0x3  }
0x97: {  	_ =	strace s4  }
0x98: {  	_ =	strace $0x8FFFFFFF  }
0x99: {  	s19 =	sld [smem:$0x3FDB];
	_ =	sdelay $0x1  }
0x9a: {  	s5 =	simm.s32 $_scs_section_size  }
0x9b: {  	s6 =	simm.s32 $_size__tile_overlayer_lowered;
	s7 =	simm.s32 $_tile_overlayer_lowered  }
0x9c: {  	s22 =	simm.s32 $0x1BFF;
	s21 =	sshll.u32 s7, $0x1;
	s4 =	sadd.s32 s5, s19  }
0x9d: {  	s8 =	simm.s32 $0x0;
	s20 =	sshll.u32 s6, $0x1;
	s6 =	sadd.s32 s21, s4  }
0x9e: {  	[timem:s8], [sflag:s22] =	dma.local [hbm:s6], s20  }
0x9f: {  	_ =	swait.ge [sflag:s22], s20  }
0xa0: {  	s5 =	ssub.s32 $0x0, s20;
	[sflag:s22] =	ssyncset.done $0x0  }
0xa1: {  	[sflag:s22] =	ssyncadd.s32 s5;
	_ =	sdelay $0x1  }
0xa2: {  	s23 =	simm.s32 $0x1B8B  }
0xa3: {  	_ =	swait.ge [sflag:s23], $0x1  }
0xa4: {  	[sflag:s23] =	ssyncset.done $0x0  }
0xa5: {  	s25 =	simm.s32 $0x1B8E;
	s24 =	sld [smem:$0x3FFE];
	[sflag:s23] =	ssyncadd.s32 $0xFFFFFFFF  }
0xa6: {  	s26 =	simm.s32 $execute0_lowered;
	[smem:$0x3FD2] =	sst s25  }
0xa7: {  	s6 =	sshll.u32 s26, $0x1;
	_ =	strace $0x80000046;
	[dreg:$0x1] =	wrdreg $0xFFFFFFFF  }
0xa8: {  	s28 =	simm.s32 $_size_execute0_lowered;
	s4 =	sadd.s32 s4, s6;
	[dreg:$0x0] =	wrdreg $0x0  }
0xa9: {  	s6 =	sshll.u32 s28, $0x1;
	[dreg:$0x2] =	wrdreg s4  }
0xaa: {  	[dreg:$0x3] =	wrdreg s6  }
0xab: {  	[dreg:$0x4] =	wrdreg $0xC0  }
0xac: {  	_ =	task [dreg:s8], $0x5FFFF  }
0xad: {  	[dreg:$0x1] =	wrdreg $0xFFFFFFFF  }
0xae: {  	[dreg:$0x0] =	wrdreg $0x60  }
0xaf: {  	[dreg:$0x2] =	wrdreg s2  }
0xb0: {  	[dreg:$0x3] =	wrdreg s18  }
0xb1: {  	[dreg:$0x4] =	wrdreg s24  }
0xb2: {  	[dreg:$0x5] =	wrdreg $0xB8000  }
0xb3: {  	[dreg:$0x6] =	wrdreg $0x9  }
0xb4: {  	_ =	task.clear_ibuf [dreg:s8], $0x7FFFF;
	_ =	strace $0x90000046  }
0xb5: {  	s29 =	simm.s32 $0x9;
	_ =	strace $0x80000048  }
0xb6: {  	_ =	swait.ge [sflag:s29], $0x1  }
0xb7: {  	[sflag:s29] =	ssyncadd.s32 $0xFFFFFFFF  }
0xb8: {  	_ =	strace $0x90000048  }
0xb9: {  	_ =	sfence  }
0xba: {  	s30 =	sld [smem:$0x0];
	_ =	sdelay $0x2  }
0xbb: {  	s31 =	sshll.u32 s1, $0xD;
	s1 =	sshrl.u32 s1, $0x2  }
0xbc: {  	s3 =	sand.u32 $0x4000, s31;
	s1 =	sadd.s32 s1, s30  }
0xbd: {  	s0 =	sor.u32 s3, s0;
	s1 =	sshll.u32 s1, $0x11  }
0xbe: {  	s0 =	sor.u32 s1, s0  }
0xbf: {  	s0 =	sadd.s32 $0x8F2B, s0  }
0xc0: {  	[sflag:s0] =	ssyncadd.remote.s32 $0x1  }
0xc1: {  	_ =	sfence.sel $0xFFFF  }
0xc2: {  	[dreg:$0x0] =	wrdreg $0xFFFFFFFF;
	(pc) =	sbr.abs _section_cstart, $3  }
0xc3: {  	[dreg:$0x1] =	wrdreg $0xFFFFFFFF  }
0xc4: {  	_ =	task.clear_ibuf [dreg:s8], $0x2FFFF;
	_ =	strace $0x9FFFFFFF  }
0xc5: {  	(tm) =	ssettm $0x7FFFFFFF  }
tec
execute0_lowered:
.L_overlay_start_1:
0x0: {  	(tag) =	ssettag $0x1  }
0x1: {  	s0 =	rddreg [dreg:$0x0]  }
0x2: {  	s1 =	rddreg [dreg:$0x1]  }
0x3: {  	s2 =	rddreg [dreg:$0x2]  }
0x4: {  	s4 =	srdreg.scid;
	s3 =	rddreg [dreg:$0x3]  }
0x5: {  	s10 =	stileid.u32;
	s15 =	simm.s32 $0x8;
	s16 =	simm.s32 $0x2000  }
0x6: {  	s17 =	simm.s32 $0x50;
	s18 =	simm.s32 $0x4000;
	s19 =	simm.s32 $0x80  }
0x7: {  	s20 =	simm.s32 $0x6800;
	s21 =	simm.s32 $0x7;
	s22 =	simm.s32 $0x1  }
0x8: {  	s28 =	simm.s32 $0x5;
	s29 =	simm.s32 $0x6;
	s31 =	simm.s32 $0x3E00  }
0x9: {  	s6 =	sand.u32 $0x1, s4;
	s4 =	simm.s32 $0x0;
	s7 =	smul.u32 $0x13C00, s10  }
0xa: {  	s11 =	sadd.s32 $0xE00, s2;
	s23 =	sadd.s32 $0x10E00, s2;
	s9 =	smul.u32 $0x4F000, s10  }
0xb: {  	s25 =	sshll.u32 s10, $0xC;
	s5 =	smul.u32 $0x13C000, s6;
	[smem:$0x7FF] =	sst s4  }
0xc: {  	s8 =	ssub.s32 $0x2, s6;
	s26 =	sshll.u32 s6, $0xB;
	s6 =	sshll.u32 s10, $0x6  }
0xd: {  	_ =	strace $0x80000047;
	[dreg:$0x5] =	wrdreg s23;
	s24 =	sshrl.u32 s8, $0x1  }
0xe: {  	s9 =	sshrl.u32 s9, $0x2;
	s30 =	sor.u32 s26, s25;
	s23 =	simm.s32 $0x9000  }
0xf: {  	s25 =	simm.s32 $0x4;
	s26 =	simm.s32 $0x3;
	s7 =	sadd.s32 s7, s5  }
0x10: {  	s13 =	ssub.s32 s8, s24;
	s14 =	sadd.s32 s9, s3;
	s12 =	sor.u32 $0x400, s30  }
0x11: {  	s8 =	sadd.s32 s1, s30;
	s9 =	sadd.s32 s11, s30;
	s24 =	simm.s32 $0x2  }
0x12: {  	s7 =	sshrl.u32 s7, $0x3;
	s10 =	sadd.s32 s1, s12;
	s11 =	sadd.s32 s11, s12  }
0x13: {  	s13 =	smax.u32 s13, $0x1;
	s14 =	sshrl.u32 s14, $0x3;
	s2 =	sadd.s32 s7, s2  }
0x14: {  	s1 =	simm.s32 $0x0;
	s7 =	sor.u32 $0x1C07, s6;
	s12 =	sadd.s32 $0x13600, s2  }
.LBB2_1:
0x15: {  	s2 =	rddreg [dreg:$0x5]  }
0x16: {  	[spmem:s14], [sflag:s7] =	dma.local [hbm:s2], $0x2780  }
0x17: {  	[tilespmem:s4], [sflag:$0x8] =	stream.linear.gather [hbm4b:s8+s4], $0x2000, $0x38;
	[tilespmem:$0x1F400] =	vst v63  }
0x18: {  	_ =	swait.ge [sflag:s15], $0x2000  }
0x19: {  	[sflag:s15] =	ssyncset.done $0x0  }
0x1a: {  	[sflag:s15] =	ssyncadd.s32 $0xFFFFE000  }
0x1b: {  	[tilespmem:s16], [sflag:$0x8] =	stream.linear.gather [hbm4b:s9+s4], $0x2000, $0x38;
	[tilespmem:$0x1F400] =	vst v63  }
0x1c: {  	_ =	swait.ge [sflag:s15], $0x2000  }
0x1d: {  	[sflag:s15] =	ssyncset.done $0x0  }
0x1e: {  	[sflag:s15] =	ssyncadd.s32 $0xFFFFE000  }
0x1f: {  	[tilespmem:s18], [sflag:$0x1] =	stream.indirect.gather [hbm4b:s0+s17], $0x80, s4, s17, $0xb8;
	[tilespmem:$0x1F400] =	vst v63  }
0x20: {  	_ = 	snop  }
0x21: {  	[tilespmem:s20], [sflag:$0x2] =	stream.indirect.gather [hbm4b:s0+s17], $0x80, s19, s17, $0xb8;
	[tilespmem:$0x1F400] =	vst v63  }
0x22: {  	_ =	swait.ge [sflag:s21], $0x2780  }
0x23: {  	[sflag:s21] =	ssyncset.done $0x0  }
0x24: {  	[sflag:s21] =	ssyncadd.s32 $0xFFFFD880  }
0x25: {  	[bflag:$0x0] =	sbarrier.arrive $0xFFFF  }
0x26: {  	_ =	swait.ge [sflag:s22], $0x2800  }
0x27: {  	[sflag:s22] =	ssyncset.done $0x0  }
0x28: {  	s5 =	simm.s32 $0x100;
	[sflag:s22] =	ssyncadd.s32 $0xFFFFD800  }
0x29: {  	[tilespmem:s23], [sflag:$0x3] =	stream.indirect.gather [hbm4b:s0+s17], $0x80, s5, s17, $0xb8;
	[tilespmem:$0x1F400] =	vst v63  }
0x2a: {  	s30 =	simm.s32 $0x2000  }
0x2b: {  	[spmem:s3] =	stream.indirect.scatter.add.f32 [tilespmem:s18], [sflag:$0x4], $0x80, s30, s17, $0xb8;
	[tilespmem:$0x1F400] =	vst v63  }
0x2c: {  	_ =	swait.ge [sflag:s24], $0x2800  }
0x2d: {  	[sflag:s24] =	ssyncset.done $0x0  }
0x2e: {  	[sflag:s24] =	ssyncadd.s32 $0xFFFFD800  }
0x2f: {  	_ =	swait.ge [sflag:s25], $0x2800  }
0x30: {  	[sflag:s25] =	ssyncset.done $0x0  }
0x31: {  	s5 =	simm.s32 $0x180;
	[sflag:s25] =	ssyncadd.s32 $0xFFFFD800  }
0x32: {  	[tilespmem:s18], [sflag:$0x1] =	stream.indirect.gather [hbm4b:s0+s17], $0x80, s5, s17, $0xb8;
	[tilespmem:$0x1F400] =	vst v63  }
0x33: {  	s30 =	simm.s32 $0x2080  }
0x34: {  	[spmem:s3] =	stream.indirect.scatter.add.f32 [tilespmem:s20], [sflag:$0x5], $0x80, s30, s17, $0xb8;
	[tilespmem:$0x1F400] =	vst v63  }
0x35: {  	_ =	swait.ge [sflag:s26], $0x2800  }
0x36: {  	[sflag:s26] =	ssyncset.done $0x0  }
0x37: {  	[sflag:s26] =	ssyncadd.s32 $0xFFFFD800  }
0x38: {  	_ =	swait.ge [sflag:s28], $0x2800  }
0x39: {  	[sflag:s28] =	ssyncset.done $0x0  }
0x3a: {  	s5 =	simm.s32 $0x200;
	[sflag:s28] =	ssyncadd.s32 $0xFFFFD800  }
0x3b: {  	[tilespmem:s20], [sflag:$0x2] =	stream.indirect.gather [hbm4b:s0+s17], $0x80, s5, s17, $0xb8;
	[tilespmem:$0x1F400] =	vst v63  }
0x3c: {  	s30 =	simm.s32 $0x2100  }
0x3d: {  	[spmem:s3] =	stream.indirect.scatter.add.f32 [tilespmem:s23], [sflag:$0x6], $0x80, s30, s17, $0xb8;
	[tilespmem:$0x1F400] =	vst v63  }
0x3e: {  	_ =	swait.ge [sflag:s29], $0x2800  }
0x3f: {  	s2 =	simm.s32 $0x600;
	[sflag:s29] =	ssyncset.done $0x0  }
.LBB2_2:
0x40: {  	p0 =	sne.s32 s2, $0x7200  }
0x41: {  	[sflag:s29] =	ssyncadd.s32 $0xFFFFD800;
	s30 =	smov.u32 s2;
	s2 =	sadd.s32 $0x600, s2  }
0x42: {  	_ = 	snop  }
0x43: {  	_ =	swait.ge [sflag:s22], $0x2800  }
0x44: {  	s30 =	sshra.s32 s30, $0x2;
	[sflag:s22] =	ssyncset.done $0x0  }
0x45: {  	s5 =	sadd.s32 $0x100, s30;
	[sflag:s22] =	ssyncadd.s32 $0xFFFFD800  }
0x46: {  	[tilespmem:s23], [sflag:$0x3] =	stream.indirect.gather [hbm4b:s0+s17], $0x80, s5, s17, $0xb8;
	[tilespmem:$0x1F400] =	vst v63  }
0x47: {  	s5 =	sadd.s32 $0x2000, s30  }
0x48: {  	[spmem:s3] =	stream.indirect.scatter.add.f32 [tilespmem:s18], [sflag:$0x4], $0x80, s5, s17, $0xb8;
	[tilespmem:$0x1F400] =	vst v63  }
0x49: {  	_ =	swait.ge [sflag:s24], $0x2800  }
0x4a: {  	[sflag:s24] =	ssyncset.done $0x0  }
0x4b: {  	[sflag:s24] =	ssyncadd.s32 $0xFFFFD800  }
0x4c: {  	_ =	swait.ge [sflag:s25], $0x2800  }
0x4d: {  	[sflag:s25] =	ssyncset.done $0x0  }
0x4e: {  	s5 =	sadd.s32 $0x180, s30;
	[sflag:s25] =	ssyncadd.s32 $0xFFFFD800  }
0x4f: {  	[tilespmem:s18], [sflag:$0x1] =	stream.indirect.gather [hbm4b:s0+s17], $0x80, s5, s17, $0xb8;
	[tilespmem:$0x1F400] =	vst v63  }
0x50: {  	s5 =	sadd.s32 $0x2080, s30  }
0x51: {  	[spmem:s3] =	stream.indirect.scatter.add.f32 [tilespmem:s20], [sflag:$0x5], $0x80, s5, s17, $0xb8;
	[tilespmem:$0x1F400] =	vst v63  }
0x52: {  	_ =	swait.ge [sflag:s26], $0x2800  }
0x53: {  	[sflag:s26] =	ssyncset.done $0x0  }
0x54: {  	[sflag:s26] =	ssyncadd.s32 $0xFFFFD800  }
0x55: {  	_ =	swait.ge [sflag:s28], $0x2800  }
0x56: {  	[sflag:s28] =	ssyncset.done $0x0  }
0x57: {  	s5 =	sadd.s32 $0x200, s30;
	[sflag:s28] =	ssyncadd.s32 $0xFFFFD800  }
0x58: {  	[tilespmem:s20], [sflag:$0x2] =	stream.indirect.gather [hbm4b:s0+s17], $0x80, s5, s17, $0xb8;
	[tilespmem:$0x1F400] =	vst v63  }
.Ltmp0:
0x59: {  	_ = 	snop;
	(pc) =	sbr.rel @p0 .LBB2_2-.Ltmp0, $4  }
0x5a: {  	s5 =	sadd.s32 $0x2100, s30  }
0x5b: {  	[spmem:s3] =	stream.indirect.scatter.add.f32 [tilespmem:s23], [sflag:$0x6], $0x80, s5, s17, $0xb8;
	[tilespmem:$0x1F400] =	vst v63  }
0x5c: {  	_ =	swait.ge [sflag:s29], $0x2800  }
0x5d: {  	[sflag:s29] =	ssyncset.done $0x0  }
0x5e: {  	[sflag:s29] =	ssyncadd.s32 $0xFFFFD800  }
0x5f: {  	_ =	swait.ge [sflag:s22], $0x2800  }
0x60: {  	[sflag:s22] =	ssyncset.done $0x0  }
0x61: {  	s2 =	simm.s32 $0x1F00;
	[sflag:s22] =	ssyncadd.s32 $0xFFFFD800  }
0x62: {  	[tilespmem:s23], [sflag:$0x3] =	stream.indirect.gather [hbm4b:s0+s17], $0x80, s2, s17, $0xb8;
	[tilespmem:$0x1F400] =	vst v63  }
0x63: {  	_ = 	snop  }
0x64: {  	[spmem:s3] =	stream.indirect.scatter.add.f32 [tilespmem:s18], [sflag:$0x4], $0x80, s31, s17, $0xb8;
	[tilespmem:$0x1F400] =	vst v63  }
0x65: {  	_ =	swait.ge [sflag:s24], $0x2800  }
0x66: {  	[sflag:s24] =	ssyncset.done $0x0  }
0x67: {  	[sflag:s24] =	ssyncadd.s32 $0xFFFFD800  }
0x68: {  	_ =	swait.ge [sflag:s25], $0x2800  }
0x69: {  	[sflag:s25] =	ssyncset.done $0x0  }
0x6a: {  	s30 =	simm.s32 $0x1F80;
	[sflag:s25] =	ssyncadd.s32 $0xFFFFD800  }
0x6b: {  	[tilespmem:s18], [sflag:$0x1] =	stream.indirect.gather [hbm4b:s0+s17], $0x80, s30, s17, $0xb8;
	[tilespmem:$0x1F400] =	vst v63  }
0x6c: {  	s5 =	simm.s32 $0x3E80  }
0x6d: {  	[spmem:s3] =	stream.indirect.scatter.add.f32 [tilespmem:s20], [sflag:$0x5], $0x80, s5, s17, $0xb8;
	[tilespmem:$0x1F400] =	vst v63  }
0x6e: {  	_ =	swait.ge [sflag:s26], $0x2800  }
0x6f: {  	[sflag:s26] =	ssyncset.done $0x0  }
0x70: {  	[sflag:s26] =	ssyncadd.s32 $0xFFFFD800  }
0x71: {  	_ =	swait.ge [sflag:s28], $0x2800  }
0x72: {  	[sflag:s28] =	ssyncset.done $0x0  }
0x73: {  	s30 =	simm.s32 $0x3F00;
	[sflag:s28] =	ssyncadd.s32 $0xFFFFD800  }
0x74: {  	[spmem:s3] =	stream.indirect.scatter.add.f32 [tilespmem:s23], [sflag:$0x6], $0x80, s30, s17, $0xb8;
	[tilespmem:$0x1F400] =	vst v63  }
0x75: {  	_ =	swait.ge [sflag:s29], $0x2800  }
0x76: {  	[sflag:s29] =	ssyncset.done $0x0  }
0x77: {  	[sflag:s29] =	ssyncadd.s32 $0xFFFFD800  }
0x78: {  	_ =	swait.ge [sflag:s22], $0x2800  }
0x79: {  	[sflag:s22] =	ssyncset.done $0x0  }
0x7a: {  	s5 =	simm.s32 $0x3F80;
	[sflag:s22] =	ssyncadd.s32 $0xFFFFD800  }
0x7b: {  	[spmem:s3] =	stream.indirect.scatter.add.f32 [tilespmem:s18], [sflag:$0x4], $0x80, s5, s17, $0xb8;
	[tilespmem:$0x1F400] =	vst v63  }
0x7c: {  	_ =	swait.ge [sflag:s25], $0x2800  }
0x7d: {  	[sflag:s25] =	ssyncset.done $0x0  }
0x7e: {  	s30 =	simm.s32 $0x0;
	[sflag:s25] =	ssyncadd.s32 $0xFFFFD800  }
0x7f: {  	[tilespmem:s30], [sflag:$0x8] =	stream.linear.gather [hbm4b:s10+s30], $0x1E80, $0x38;
	[tilespmem:$0x1F400] =	vst v63  }
0x80: {  	_ =	swait.ge [sflag:s15], $0x1E80  }
0x81: {  	[sflag:s15] =	ssyncset.done $0x0  }
0x82: {  	[sflag:s15] =	ssyncadd.s32 $0xFFFFE180  }
0x83: {  	[tilespmem:s16], [sflag:$0x8] =	stream.linear.gather [hbm4b:s11+s30], $0x1E80, $0x38;
	[tilespmem:$0x1F400] =	vst v63  }
0x84: {  	_ =	swait.ge [sflag:s15], $0x1E80  }
0x85: {  	[sflag:s15] =	ssyncset.done $0x0  }
0x86: {  	[sflag:s15] =	ssyncadd.s32 $0xFFFFE180  }
0x87: {  	[tilespmem:s18], [sflag:$0x1] =	stream.indirect.gather [hbm4b:s0+s17], $0x80, s30, s17, $0xb8;
	[tilespmem:$0x1F400] =	vst v63  }
0x88: {  	_ = 	snop  }
0x89: {  	[tilespmem:s20], [sflag:$0x2] =	stream.indirect.gather [hbm4b:s0+s17], $0x80, s19, s17, $0xb8;
	[tilespmem:$0x1F400] =	vst v63  }
0x8a: {  	_ =	swait.ge [sflag:s22], $0x2800  }
0x8b: {  	[sflag:s22] =	ssyncset.done $0x0  }
0x8c: {  	s5 =	simm.s32 $0x100;
	[sflag:s22] =	ssyncadd.s32 $0xFFFFD800  }
0x8d: {  	[tilespmem:s23], [sflag:$0x3] =	stream.indirect.gather [hbm4b:s0+s17], $0x80, s5, s17, $0xb8;
	[tilespmem:$0x1F400] =	vst v63  }
0x8e: {  	s30 =	simm.s32 $0x2000  }
0x8f: {  	[spmem:s3] =	stream.indirect.scatter.add.f32 [tilespmem:s18], [sflag:$0x4], $0x80, s30, s17, $0xb8;
	[tilespmem:$0x1F400] =	vst v63  }
0x90: {  	_ =	swait.ge [sflag:s24], $0x2800  }
0x91: {  	[sflag:s24] =	ssyncset.done $0x0  }
0x92: {  	[sflag:s24] =	ssyncadd.s32 $0xFFFFD800  }
0x93: {  	_ =	swait.ge [sflag:s25], $0x2800  }
0x94: {  	[sflag:s25] =	ssyncset.done $0x0  }
0x95: {  	s5 =	simm.s32 $0x180;
	[sflag:s25] =	ssyncadd.s32 $0xFFFFD800  }
0x96: {  	[tilespmem:s18], [sflag:$0x1] =	stream.indirect.gather [hbm4b:s0+s17], $0x80, s5, s17, $0xb8;
	[tilespmem:$0x1F400] =	vst v63  }
0x97: {  	s30 =	simm.s32 $0x2080  }
0x98: {  	[spmem:s3] =	stream.indirect.scatter.add.f32 [tilespmem:s20], [sflag:$0x5], $0x80, s30, s17, $0xb8;
	[tilespmem:$0x1F400] =	vst v63  }
0x99: {  	_ =	swait.ge [sflag:s26], $0x2800  }
0x9a: {  	[sflag:s26] =	ssyncset.done $0x0  }
0x9b: {  	[sflag:s26] =	ssyncadd.s32 $0xFFFFD800  }
0x9c: {  	_ =	swait.ge [sflag:s28], $0x2800  }
0x9d: {  	[sflag:s28] =	ssyncset.done $0x0  }
0x9e: {  	s5 =	simm.s32 $0x200;
	[sflag:s28] =	ssyncadd.s32 $0xFFFFD800  }
0x9f: {  	[tilespmem:s20], [sflag:$0x2] =	stream.indirect.gather [hbm4b:s0+s17], $0x80, s5, s17, $0xb8;
	[tilespmem:$0x1F400] =	vst v63  }
0xa0: {  	s30 =	simm.s32 $0x2100  }
0xa1: {  	[spmem:s3] =	stream.indirect.scatter.add.f32 [tilespmem:s23], [sflag:$0x6], $0x80, s30, s17, $0xb8;
	[tilespmem:$0x1F400] =	vst v63  }
0xa2: {  	_ =	swait.ge [sflag:s29], $0x2800  }
0xa3: {  	s2 =	simm.s32 $0x600;
	[sflag:s29] =	ssyncset.done $0x0  }
.LBB2_4:
0xa4: {  	p0 =	sne.s32 s2, $0x6C00  }
0xa5: {  	[sflag:s29] =	ssyncadd.s32 $0xFFFFD800;
	s5 =	smov.u32 s2;
	s2 =	sadd.s32 $0x600, s2  }
0xa6: {  	_ = 	snop  }
0xa7: {  	_ =	swait.ge [sflag:s22], $0x2800  }
0xa8: {  	s5 =	sshra.s32 s5, $0x2;
	[sflag:s22] =	ssyncset.done $0x0  }
0xa9: {  	s30 =	sadd.s32 $0x100, s5;
	[sflag:s22] =	ssyncadd.s32 $0xFFFFD800  }
0xaa: {  	[tilespmem:s23], [sflag:$0x3] =	stream.indirect.gather [hbm4b:s0+s17], $0x80, s30, s17, $0xb8;
	[tilespmem:$0x1F400] =	vst v63  }
0xab: {  	s30 =	sadd.s32 $0x2000, s5  }
0xac: {  	[spmem:s3] =	stream.indirect.scatter.add.f32 [tilespmem:s18], [sflag:$0x4], $0x80, s30, s17, $0xb8;
	[tilespmem:$0x1F400] =	vst v63  }
0xad: {  	_ =	swait.ge [sflag:s24], $0x2800  }
0xae: {  	[sflag:s24] =	ssyncset.done $0x0  }
0xaf: {  	[sflag:s24] =	ssyncadd.s32 $0xFFFFD800  }
0xb0: {  	_ =	swait.ge [sflag:s25], $0x2800  }
0xb1: {  	[sflag:s25] =	ssyncset.done $0x0  }
0xb2: {  	s30 =	sadd.s32 $0x180, s5;
	[sflag:s25] =	ssyncadd.s32 $0xFFFFD800  }
0xb3: {  	[tilespmem:s18], [sflag:$0x1] =	stream.indirect.gather [hbm4b:s0+s17], $0x80, s30, s17, $0xb8;
	[tilespmem:$0x1F400] =	vst v63  }
0xb4: {  	s30 =	sadd.s32 $0x2080, s5  }
0xb5: {  	[spmem:s3] =	stream.indirect.scatter.add.f32 [tilespmem:s20], [sflag:$0x5], $0x80, s30, s17, $0xb8;
	[tilespmem:$0x1F400] =	vst v63  }
0xb6: {  	_ =	swait.ge [sflag:s26], $0x2800  }
0xb7: {  	[sflag:s26] =	ssyncset.done $0x0  }
0xb8: {  	[sflag:s26] =	ssyncadd.s32 $0xFFFFD800  }
0xb9: {  	_ =	swait.ge [sflag:s28], $0x2800  }
0xba: {  	[sflag:s28] =	ssyncset.done $0x0  }
0xbb: {  	s30 =	sadd.s32 $0x200, s5;
	[sflag:s28] =	ssyncadd.s32 $0xFFFFD800  }
0xbc: {  	[tilespmem:s20], [sflag:$0x2] =	stream.indirect.gather [hbm4b:s0+s17], $0x80, s30, s17, $0xb8;
	[tilespmem:$0x1F400] =	vst v63  }
.Ltmp1:
0xbd: {  	_ = 	snop;
	(pc) =	sbr.rel @p0 .LBB2_4-.Ltmp1, $4  }
0xbe: {  	s5 =	sadd.s32 $0x2100, s5  }
0xbf: {  	[spmem:s3] =	stream.indirect.scatter.add.f32 [tilespmem:s23], [sflag:$0x6], $0x80, s5, s17, $0xb8;
	[tilespmem:$0x1F400] =	vst v63  }
0xc0: {  	_ =	swait.ge [sflag:s29], $0x2800  }
0xc1: {  	[sflag:s29] =	ssyncset.done $0x0  }
0xc2: {  	[sflag:s29] =	ssyncadd.s32 $0xFFFFD800  }
0xc3: {  	_ =	swait.ge [sflag:s22], $0x2800  }
0xc4: {  	[sflag:s22] =	ssyncset.done $0x0  }
0xc5: {  	s2 =	simm.s32 $0x1D80;
	[sflag:s22] =	ssyncadd.s32 $0xFFFFD800  }
0xc6: {  	[tilespmem:s23], [sflag:$0x3] =	stream.indirect.gather [hbm4b:s0+s17], $0x80, s2, s17, $0xb8;
	[tilespmem:$0x1F400] =	vst v63  }
0xc7: {  	s30 =	simm.s32 $0x3C80  }
0xc8: {  	[spmem:s3] =	stream.indirect.scatter.add.f32 [tilespmem:s18], [sflag:$0x4], $0x80, s30, s17, $0xb8;
	[tilespmem:$0x1F400] =	vst v63  }
0xc9: {  	_ =	swait.ge [sflag:s24], $0x2800  }
0xca: {  	[sflag:s24] =	ssyncset.done $0x0  }
0xcb: {  	[sflag:s24] =	ssyncadd.s32 $0xFFFFD800  }
0xcc: {  	_ =	swait.ge [sflag:s25], $0x2800  }
0xcd: {  	[sflag:s25] =	ssyncset.done $0x0  }
0xce: {  	s5 =	simm.s32 $0x1E00;
	[sflag:s25] =	ssyncadd.s32 $0xFFFFD800  }
0xcf: {  	[tilespmem:s18], [sflag:$0x1] =	stream.indirect.gather [hbm4b:s0+s17], $0x80, s5, s17, $0xb8;
	[tilespmem:$0x1F400] =	vst v63  }
0xd0: {  	s30 =	simm.s32 $0x3D00  }
0xd1: {  	[spmem:s3] =	stream.indirect.scatter.add.f32 [tilespmem:s20], [sflag:$0x5], $0x80, s30, s17, $0xb8;
	[tilespmem:$0x1F400] =	vst v63  }
0xd2: {  	_ =	swait.ge [sflag:s26], $0x2800  }
0xd3: {  	[sflag:s26] =	ssyncset.done $0x0  }
0xd4: {  	[sflag:s26] =	ssyncadd.s32 $0xFFFFD800  }
0xd5: {  	_ =	swait.ge [sflag:s28], $0x2800  }
0xd6: {  	[sflag:s28] =	ssyncset.done $0x0  }
0xd7: {  	s5 =	simm.s32 $0x3D80;
	[sflag:s28] =	ssyncadd.s32 $0xFFFFD800  }
0xd8: {  	[spmem:s3] =	stream.indirect.scatter.add.f32 [tilespmem:s23], [sflag:$0x6], $0x80, s5, s17, $0xb8;
	[tilespmem:$0x1F400] =	vst v63  }
0xd9: {  	_ =	swait.ge [sflag:s29], $0x2800  }
0xda: {  	[sflag:s29] =	ssyncset.done $0x0  }
0xdb: {  	[sflag:s29] =	ssyncadd.s32 $0xFFFFD800  }
0xdc: {  	_ =	swait.ge [sflag:s22], $0x2800  }
0xdd: {  	[sflag:s22] =	ssyncset.done $0x0  }
0xde: {  	[sflag:s22] =	ssyncadd.s32 $0xFFFFD800  }
0xdf: {  	[spmem:s3] =	stream.indirect.scatter.add.f32 [tilespmem:s18], [sflag:$0x4], $0x80, s31, s17, $0xb8;
	[tilespmem:$0x1F400] =	vst v63  }
0xe0: {  	_ =	swait.ge [sflag:s25], $0x2800  }
0xe1: {  	s1 =	sadd.s32 $0x1, s1;
	[sflag:s25] =	ssyncset.done $0x0  }
0xe2: {  	p0 =	sne.s32 s1, s13;
	[sflag:s25] =	ssyncadd.s32 $0xFFFFD800  }
.Ltmp2:
0xe3: {  	s30 =	sor.u32 $0x1C08, s6;
	[bflag:$0x0] =	sbarrier.arrive $0xFFFF;
	(pc) =	sbr.rel @p0 .LBB2_1-.Ltmp2, $4  }
0xe4: {  	[hbm:s12], [sflag:s30] =	dma.local [spmem:s14], $0x2780  }
0xe5: {  	_ =	swait.ge [sflag:s15], $0x2780  }
0xe6: {  	[sflag:s15] =	ssyncset.done $0x0  }
0xe7: {  	[sflag:s15] =	ssyncadd.s32 $0xFFFFD880  }
0xe8: {  	_ =	sfence.sel $0x180000  }
0xe9: {  	[bflag:$0x0] =	sbarrier.arrive $0xFFFF  }
0xea: {  	_ =	strace $0x90000047  }
0xeb: {  	s0 =	stileid.u32;
	[bflag:$0x2] =	sbarrier.arrive $0xFFFF  }
0xec: {  	p0 =	sne.s32 s0, $0x0;
	s0 =	rddreg [dreg:$0x4]  }
0xed: {  	s0 =	sadd.s32 @!p0 $0x100000, s0  }
0xee: {  	[sflag:s0] =	ssyncadd.tile.s32 @!p0 $0x1;
	_ =	shalt  }
.Lfunc_end2:
_tile_overlayer_lowered:
.L_overlay_start_2:
0xef: {  	(tag) =	ssettag $0x2  }
0xf0: {  	s0 =	rddreg [dreg:$0x0];
	s2 =	stileid.u32  }
0xf1: {  	s1 =	rddreg [dreg:$0x1];
	p0 =	sne.s32 s2, $0x0  }
0xf2: {  	s3 =	rddreg [dreg:$0x2];
	[bflag:$0x3] =	sbarrier.arrive $0xFFFF;
	s2 =	simm.s32 @!p0 $0x1C08  }
0xf3: {  	[timem:s3], [sflag:s2] =	dma.local @!p0 [hbm:s0], s1  }
0xf4: {  	s0 =	simm.s32 @!p0 $0x8  }
0xf5: {  	_ =	swait.ge @!p0 [sflag:s0], s1  }
0xf6: {  	s1 =	ssub.s32 @!p0 $0x0, s1;
	[sflag:s0] =	ssyncset.done @!p0 $0x0  }
0xf7: {  	[sflag:s0] =	ssyncadd.s32 @!p0 s1  }
0xf8: {  	[bflag:$0x3] =	sbarrier.arrive $0xFFFF  }
0xf9: {  	_ =	shalt  }

</sc_bundles>
